<compile_context>
chip_gen: v7x
topology: tpu7x:2x2x1
jax: 0.10.2.dev20260603
libtpu: 0.0.44.dev20260713+nightly
codegen_flags: <defaults>
</compile_context>

<pallas_src>
import functools

import jax
import jax.numpy as jnp
from jax import lax
from jax.experimental import pallas as pl
from jax.experimental.pallas import tpu as pltpu
from jax.experimental.pallas import tpu_sc as plsc

D_MODEL = 512
NC = 2
NS = 16
NW = NC * NS
CHUNK = 40
NB = 4
LOOKAHEAD = 2


@functools.lru_cache(maxsize=None)
def _build(total):
    assert total % NW == 0
    per_worker = total // NW
    assert per_worker % (NB * CHUNK) == 0
    n_chunks = per_worker // CHUNK
    n_outer = n_chunks // NB
    mesh = plsc.VectorSubcoreMesh(core_axis_name="c", subcore_axis_name="s")

    @functools.partial(
        pl.kernel,
        mesh=mesh,
        out_type=jax.ShapeDtypeStruct((total, D_MODEL), jnp.float32),
        scratch_types=[
            pltpu.VMEM((per_worker,), jnp.int32),
            pltpu.VMEM((NB, CHUNK, D_MODEL), jnp.float32),
            pltpu.SemaphoreType.DMA,
            pltpu.SemaphoreType.DMA,
        ],
    )
    def gather_kernel(pe_hbm, idx_hbm, out_hbm, idx_v, rows_v, gsem, wsem):
        wid = lax.axis_index("s") * NC + lax.axis_index("c")
        base = wid * per_worker

        def issue_g(c, b):
            pltpu.async_copy(
                pe_hbm.at[idx_v.at[pl.ds(c * CHUNK, CHUNK)]], rows_v.at[b], gsem)

        def issue_w(c, b):
            pltpu.async_copy(
                rows_v.at[b], out_hbm.at[pl.ds(base + c * CHUNK, CHUNK)], wsem)

        def wait_g(b):
            pltpu.make_async_copy(
                out_hbm.at[pl.ds(0, CHUNK)], rows_v.at[b], gsem).wait()

        def wait_w(b):
            pltpu.make_async_copy(
                rows_v.at[b], out_hbm.at[pl.ds(0, CHUNK)], wsem).wait()

        pltpu.sync_copy(idx_hbm.at[pl.ds(base, per_worker)], idx_v)
        for c in range(LOOKAHEAD):
            issue_g(c, c)

        for b in range(NB):
            wait_g(b)
            issue_w(b, b)
            if b >= LOOKAHEAD:
                wait_w((b + LOOKAHEAD) % NB)
            issue_g(b + LOOKAHEAD, (b + LOOKAHEAD) % NB)

        def body(i, carry):
            c0 = i * NB
            for b in range(NB):
                wait_g(b)
                issue_w(c0 + b, b)
                wait_w((b + LOOKAHEAD) % NB)
                issue_g(c0 + b + LOOKAHEAD, (b + LOOKAHEAD) % NB)
            return carry

        lax.fori_loop(1, n_outer - 1, body, 0)

        cL = n_chunks - NB
        for b in range(NB):
            wait_g(b)
            issue_w(cL + b, b)
            if b < NB - LOOKAHEAD:
                wait_w((b + LOOKAHEAD) % NB)
                issue_g(cL + b + LOOKAHEAD, (b + LOOKAHEAD) % NB)

        for b in range(NB):
            wait_w(b)

    return gather_kernel


def kernel(doy, pe):
    b, l = doy.shape
    flat = doy.reshape(b * l).astype(jnp.int32)
    out = _build(b * l)(pe, flat)
    return out.reshape(b, l, D_MODEL)

# --- scband reference (transcript-rebuilt; emitter-appended) ---
"""Pipeline reference for scband-positional-encoding-27848567947466 (READ-ONLY COPY).

The authoritative reference and input builder live on the scoring server;
editing this copy changes nothing except your own understanding.
"""

import math
import jax, jax.numpy as jnp
import numpy as np

D_MODEL = 512
MAX_LEN = 5000
T = 10000
B = 1024
L = 200


def _build_pe():
    position = np.arange(MAX_LEN, dtype=np.float32)[:, None]
    div_term = np.exp(np.arange(0, D_MODEL, 2, dtype=np.float32) * (-math.log(T) / D_MODEL))
    pe = np.zeros((MAX_LEN + 1, D_MODEL), dtype=np.float32)
    pe[1:, 0::2] = np.sin(position * div_term)
    pe[1:, 1::2] = np.cos(position * div_term)
    return jnp.asarray(pe)


def setup_inputs(seed: int = 0) -> dict:
    key = jax.random.key(seed)
    doy = jax.random.randint(key, (B, L), 0, MAX_LEN + 1, dtype=jnp.int64 if jax.config.jax_enable_x64 else jnp.int32)
    pe = _build_pe()
    return {"doy": doy, "pe": pe}


def reference(doy, pe):
    # PositionalEncoding.forward: self.pe[doy] -> gather rows of pe table
    return jnp.take(pe, doy, axis=0)

if __name__ == "__main__":
    import jax
    _d = setup_inputs()
    print(jax.jit(kernel)(*tuple(_d.values())))

</pallas_src>

<mosaic_0001>
#map = affine_map<(d0, d1) -> (0, 0)>
#map1 = affine_map<(d0, d1) -> (0)>
module attributes {stable_mosaic.version = 14 : i64} {
  func.func @gather_kernel(%arg0: i32, %arg1: i32, %arg2: memref<5001x512xf32, #tpu.memory_space<hbm>>, %arg3: memref<204800xi32, #tpu.memory_space<hbm>>, %arg4: memref<204800x512xf32, #tpu.memory_space<hbm>>, %arg5: memref<6400xi32, #tpu.memory_space<vmem>>, %arg6: memref<4x40x512xf32, #tpu.memory_space<vmem>>, %arg7: memref<!tpu.dma_semaphore, #tpu.memory_space<semaphore_mem>>, %arg8: memref<!tpu.dma_semaphore, #tpu.memory_space<semaphore_mem>>) attributes {dimension_semantics = [#tpu.dimension_semantics<core_parallel>, #tpu.dimension_semantics<subcore_parallel>], iteration_bounds = array<i64: 2, 16>, scalar_prefetch = 0 : i64, scratch_operands = 4 : i64, tpu.core_type = #tpu.core_type<sc_vector_subcore>, window_params = [{transform_indices = #map}, {transform_indices = #map1}, {transform_indices = #map}]} {
    %mul3A = arith.constant 2 : i32
    %mul3A_0 = arith.muli %arg1, %mul3A : i32
    %add3A = arith.addi %mul3A_0, %arg0 : i32
    %mul3A_1 = arith.constant 6400 : i32
    %mul3A_2 = arith.muli %add3A, %mul3A_1 : i32
    "tpu.region"() ({
      %run_scoped3A = tpu.sem_alloc : memref<!tpu.dma_semaphore, #tpu.memory_space<semaphore_mem>>
      %dma_start3A_446 = tpu.memref_slice %arg3[%mul3A_2] : memref<204800xi32, #tpu.memory_space<hbm>> -> memref<6400xi32, #tpu.memory_space<hbm>>
      %dma_start3A_447 = tpu.memref_slice %arg3[%mul3A_2] : memref<204800xi32, #tpu.memory_space<hbm>> -> memref<6400xi32, #tpu.memory_space<hbm>>
      tpu.enqueue_dma source(%dma_start3A_447 : memref<6400xi32, #tpu.memory_space<hbm>>) target(%arg5 : memref<6400xi32, #tpu.memory_space<vmem>>) target_semaphore(%run_scoped3A : memref<!tpu.dma_semaphore, #tpu.memory_space<semaphore_mem>>)
      %dma_wait3A_448 = tpu.memref_slice %arg3[%mul3A_2] : memref<204800xi32, #tpu.memory_space<hbm>> -> memref<6400xi32, #tpu.memory_space<hbm>>
      %dma_wait3A_449 = tpu.memref_slice %arg3[%mul3A_2] : memref<204800xi32, #tpu.memory_space<hbm>> -> memref<6400xi32, #tpu.memory_space<hbm>>
      tpu.wait_dma2 semaphore(%run_scoped3A : memref<!tpu.dma_semaphore, #tpu.memory_space<semaphore_mem>>) src(%dma_wait3A_449 : memref<6400xi32, #tpu.memory_space<hbm>>) dst(%arg5 : memref<6400xi32, #tpu.memory_space<vmem>>)
      tpu.yield
    }) : () -> ()
    %dma_start3A = arith.constant 0 : i32
    %dma_start3A_3 = arith.constant 0 : i32
    %dma_start3A_4 = arith.constant 0 : i32
    %dma_start3A_5 = tpu.memref_slice %arg6[%dma_start3A, %dma_start3A_3, %dma_start3A_4] : memref<4x40x512xf32, #tpu.memory_space<vmem>> -> memref<1x40x512xf32, #tpu.memory_space<vmem>>
    %dma_start3A_6 = tpu.memref_squeeze %dma_start3A_5 : memref<1x40x512xf32, #tpu.memory_space<vmem>> -> memref<40x512xf32, #tpu.memory_space<vmem>>
    %dma_start3A_7 = arith.constant 0 : i32
    %dma_start3A_8 = tpu.memref_slice %arg5[%dma_start3A_7] : memref<6400xi32, #tpu.memory_space<vmem>> -> memref<40xi32, #tpu.memory_space<vmem>>
    %dma_start3A_9 = arith.constant 0 : i32
    %dma_start3A_10 = arith.constant 0 : i32
    %dma_start3A_11 = tpu.memref_slice %arg2[%dma_start3A_9, %dma_start3A_10] : memref<5001x512xf32, #tpu.memory_space<hbm>> -> memref<5001x512xf32, #tpu.memory_space<hbm>>
    tpu.enqueue_indirect_dma source(%dma_start3A_11 : memref<5001x512xf32, #tpu.memory_space<hbm>>) target(%dma_start3A_6 : memref<40x512xf32, #tpu.memory_space<vmem>>) offsets(%dma_start3A_8 : memref<40xi32, #tpu.memory_space<vmem>>) semaphore(%arg7 : memref<!tpu.dma_semaphore, #tpu.memory_space<semaphore_mem>>)
    %dma_start3A_12 = arith.constant 1 : i32
    %dma_start3A_13 = arith.constant 0 : i32
    %dma_start3A_14 = arith.constant 0 : i32
    %dma_start3A_15 = tpu.memref_slice %arg6[%dma_start3A_12, %dma_start3A_13, %dma_start3A_14] : memref<4x40x512xf32, #tpu.memory_space<vmem>> -> memref<1x40x512xf32, #tpu.memory_space<vmem>>
    %dma_start3A_16 = tpu.memref_squeeze %dma_start3A_15 : memref<1x40x512xf32, #tpu.memory_space<vmem>> -> memref<40x512xf32, #tpu.memory_space<vmem>>
    %dma_start3A_17 = arith.constant 40 : i32
    %dma_start3A_18 = tpu.memref_slice %arg5[%dma_start3A_17] : memref<6400xi32, #tpu.memory_space<vmem>> -> memref<40xi32, #tpu.memory_space<vmem>>
    %dma_start3A_19 = arith.constant 0 : i32
    %dma_start3A_20 = arith.constant 0 : i32
    %dma_start3A_21 = tpu.memref_slice %arg2[%dma_start3A_19, %dma_start3A_20] : memref<5001x512xf32, #tpu.memory_space<hbm>> -> memref<5001x512xf32, #tpu.memory_space<hbm>>
    tpu.enqueue_indirect_dma source(%dma_start3A_21 : memref<5001x512xf32, #tpu.memory_space<hbm>>) target(%dma_start3A_16 : memref<40x512xf32, #tpu.memory_space<vmem>>) offsets(%dma_start3A_18 : memref<40xi32, #tpu.memory_space<vmem>>) semaphore(%arg7 : memref<!tpu.dma_semaphore, #tpu.memory_space<semaphore_mem>>)
    %dma_wait3A = arith.constant 0 : i32
    %dma_wait3A_22 = arith.constant 0 : i32
    %dma_wait3A_23 = arith.constant 0 : i32
    %dma_wait3A_24 = tpu.memref_slice %arg6[%dma_wait3A, %dma_wait3A_22, %dma_wait3A_23] : memref<4x40x512xf32, #tpu.memory_space<vmem>> -> memref<1x40x512xf32, #tpu.memory_space<vmem>>
    %dma_wait3A_25 = tpu.memref_squeeze %dma_wait3A_24 : memref<1x40x512xf32, #tpu.memory_space<vmem>> -> memref<40x512xf32, #tpu.memory_space<vmem>>
    %dma_wait3A_26 = arith.constant 0 : i32
    %dma_wait3A_27 = arith.constant 0 : i32
    %dma_wait3A_28 = tpu.memref_slice %arg4[%dma_wait3A_26, %dma_wait3A_27] : memref<204800x512xf32, #tpu.memory_space<hbm>> -> memref<40x512xf32, #tpu.memory_space<hbm>>
    %dma_wait3A_29 = arith.constant 0 : i32
    %dma_wait3A_30 = arith.constant 0 : i32
    %dma_wait3A_31 = tpu.memref_slice %arg6[%dma_wait3A, %dma_wait3A_29, %dma_wait3A_30] : memref<4x40x512xf32, #tpu.memory_space<vmem>> -> memref<1x40x512xf32, #tpu.memory_space<vmem>>
    %dma_wait3A_32 = tpu.memref_squeeze %dma_wait3A_31 : memref<1x40x512xf32, #tpu.memory_space<vmem>> -> memref<40x512xf32, #tpu.memory_space<vmem>>
    %dma_wait3A_33 = arith.constant 0 : i32
    %dma_wait3A_34 = arith.constant 0 : i32
    %dma_wait3A_35 = tpu.memref_slice %arg4[%dma_wait3A_33, %dma_wait3A_34] : memref<204800x512xf32, #tpu.memory_space<hbm>> -> memref<40x512xf32, #tpu.memory_space<hbm>>
    tpu.wait_dma2 semaphore(%arg7 : memref<!tpu.dma_semaphore, #tpu.memory_space<semaphore_mem>>) src(%dma_wait3A_35 : memref<40x512xf32, #tpu.memory_space<hbm>>) dst(%dma_wait3A_32 : memref<40x512xf32, #tpu.memory_space<vmem>>)
    %add3A_36 = arith.constant 0 : i32
    %add3A_37 = arith.addi %mul3A_2, %add3A_36 : i32
    %dma_start3A_38 = arith.constant 0 : i32
    %dma_start3A_39 = arith.constant 0 : i32
    %dma_start3A_40 = arith.constant 0 : i32
    %dma_start3A_41 = tpu.memref_slice %arg6[%dma_start3A_38, %dma_start3A_39, %dma_start3A_40] : memref<4x40x512xf32, #tpu.memory_space<vmem>> -> memref<1x40x512xf32, #tpu.memory_space<vmem>>
    %dma_start3A_42 = tpu.memref_squeeze %dma_start3A_41 : memref<1x40x512xf32, #tpu.memory_space<vmem>> -> memref<40x512xf32, #tpu.memory_space<vmem>>
    %dma_start3A_43 = arith.constant 0 : i32
    %dma_start3A_44 = tpu.memref_slice %arg4[%add3A_37, %dma_start3A_43] : memref<204800x512xf32, #tpu.memory_space<hbm>> -> memref<40x512xf32, #tpu.memory_space<hbm>>
    %dma_start3A_45 = arith.constant 0 : i32
    %dma_start3A_46 = tpu.memref_slice %arg4[%add3A_37, %dma_start3A_45] : memref<204800x512xf32, #tpu.memory_space<hbm>> -> memref<40x512xf32, #tpu.memory_space<hbm>>
    %dma_start3A_47 = arith.constant 0 : i32
    %dma_start3A_48 = arith.constant 0 : i32
    %dma_start3A_49 = tpu.memref_slice %arg6[%dma_start3A_38, %dma_start3A_47, %dma_start3A_48] : memref<4x40x512xf32, #tpu.memory_space<vmem>> -> memref<1x40x512xf32, #tpu.memory_space<vmem>>
    %dma_start3A_50 = tpu.memref_squeeze %dma_start3A_49 : memref<1x40x512xf32, #tpu.memory_space<vmem>> -> memref<40x512xf32, #tpu.memory_space<vmem>>
    tpu.enqueue_dma source(%dma_start3A_50 : memref<40x512xf32, #tpu.memory_space<vmem>>) target(%dma_start3A_46 : memref<40x512xf32, #tpu.memory_space<hbm>>) target_semaphore(%arg8 : memref<!tpu.dma_semaphore, #tpu.memory_space<semaphore_mem>>)
    %dma_start3A_51 = arith.constant 2 : i32
    %dma_start3A_52 = arith.constant 0 : i32
    %dma_start3A_53 = arith.constant 0 : i32
    %dma_start3A_54 = tpu.memref_slice %arg6[%dma_start3A_51, %dma_start3A_52, %dma_start3A_53] : memref<4x40x512xf32, #tpu.memory_space<vmem>> -> memref<1x40x512xf32, #tpu.memory_space<vmem>>
    %dma_start3A_55 = tpu.memref_squeeze %dma_start3A_54 : memref<1x40x512xf32, #tpu.memory_space<vmem>> -> memref<40x512xf32, #tpu.memory_space<vmem>>
    %dma_start3A_56 = arith.constant 80 : i32
    %dma_start3A_57 = tpu.memref_slice %arg5[%dma_start3A_56] : memref<6400xi32, #tpu.memory_space<vmem>> -> memref<40xi32, #tpu.memory_space<vmem>>
    %dma_start3A_58 = arith.constant 0 : i32
    %dma_start3A_59 = arith.constant 0 : i32
    %dma_start3A_60 = tpu.memref_slice %arg2[%dma_start3A_58, %dma_start3A_59] : memref<5001x512xf32, #tpu.memory_space<hbm>> -> memref<5001x512xf32, #tpu.memory_space<hbm>>
    tpu.enqueue_indirect_dma source(%dma_start3A_60 : memref<5001x512xf32, #tpu.memory_space<hbm>>) target(%dma_start3A_55 : memref<40x512xf32, #tpu.memory_space<vmem>>) offsets(%dma_start3A_57 : memref<40xi32, #tpu.memory_space<vmem>>) semaphore(%arg7 : memref<!tpu.dma_semaphore, #tpu.memory_space<semaphore_mem>>)
    %dma_wait3A_61 = arith.constant 1 : i32
    %dma_wait3A_62 = arith.constant 0 : i32
    %dma_wait3A_63 = arith.constant 0 : i32
    %dma_wait3A_64 = tpu.memref_slice %arg6[%dma_wait3A_61, %dma_wait3A_62, %dma_wait3A_63] : memref<4x40x512xf32, #tpu.memory_space<vmem>> -> memref<1x40x512xf32, #tpu.memory_space<vmem>>
    %dma_wait3A_65 = tpu.memref_squeeze %dma_wait3A_64 : memref<1x40x512xf32, #tpu.memory_space<vmem>> -> memref<40x512xf32, #tpu.memory_space<vmem>>
    %dma_wait3A_66 = arith.constant 0 : i32
    %dma_wait3A_67 = arith.constant 0 : i32
    %dma_wait3A_68 = tpu.memref_slice %arg4[%dma_wait3A_66, %dma_wait3A_67] : memref<204800x512xf32, #tpu.memory_space<hbm>> -> memref<40x512xf32, #tpu.memory_space<hbm>>
    %dma_wait3A_69 = arith.constant 0 : i32
    %dma_wait3A_70 = arith.constant 0 : i32
    %dma_wait3A_71 = tpu.memref_slice %arg6[%dma_wait3A_61, %dma_wait3A_69, %dma_wait3A_70] : memref<4x40x512xf32, #tpu.memory_space<vmem>> -> memref<1x40x512xf32, #tpu.memory_space<vmem>>
    %dma_wait3A_72 = tpu.memref_squeeze %dma_wait3A_71 : memref<1x40x512xf32, #tpu.memory_space<vmem>> -> memref<40x512xf32, #tpu.memory_space<vmem>>
    %dma_wait3A_73 = arith.constant 0 : i32
    %dma_wait3A_74 = arith.constant 0 : i32
    %dma_wait3A_75 = tpu.memref_slice %arg4[%dma_wait3A_73, %dma_wait3A_74] : memref<204800x512xf32, #tpu.memory_space<hbm>> -> memref<40x512xf32, #tpu.memory_space<hbm>>
    tpu.wait_dma2 semaphore(%arg7 : memref<!tpu.dma_semaphore, #tpu.memory_space<semaphore_mem>>) src(%dma_wait3A_75 : memref<40x512xf32, #tpu.memory_space<hbm>>) dst(%dma_wait3A_72 : memref<40x512xf32, #tpu.memory_space<vmem>>)
    %add3A_76 = arith.constant 40 : i32
    %add3A_77 = arith.addi %mul3A_2, %add3A_76 : i32
    %dma_start3A_78 = arith.constant 1 : i32
    %dma_start3A_79 = arith.constant 0 : i32
    %dma_start3A_80 = arith.constant 0 : i32
    %dma_start3A_81 = tpu.memref_slice %arg6[%dma_start3A_78, %dma_start3A_79, %dma_start3A_80] : memref<4x40x512xf32, #tpu.memory_space<vmem>> -> memref<1x40x512xf32, #tpu.memory_space<vmem>>
    %dma_start3A_82 = tpu.memref_squeeze %dma_start3A_81 : memref<1x40x512xf32, #tpu.memory_space<vmem>> -> memref<40x512xf32, #tpu.memory_space<vmem>>
    %dma_start3A_83 = arith.constant 0 : i32
    %dma_start3A_84 = tpu.memref_slice %arg4[%add3A_77, %dma_start3A_83] : memref<204800x512xf32, #tpu.memory_space<hbm>> -> memref<40x512xf32, #tpu.memory_space<hbm>>
    %dma_start3A_85 = arith.constant 0 : i32
    %dma_start3A_86 = tpu.memref_slice %arg4[%add3A_77, %dma_start3A_85] : memref<204800x512xf32, #tpu.memory_space<hbm>> -> memref<40x512xf32, #tpu.memory_space<hbm>>
    %dma_start3A_87 = arith.constant 0 : i32
    %dma_start3A_88 = arith.constant 0 : i32
    %dma_start3A_89 = tpu.memref_slice %arg6[%dma_start3A_78, %dma_start3A_87, %dma_start3A_88] : memref<4x40x512xf32, #tpu.memory_space<vmem>> -> memref<1x40x512xf32, #tpu.memory_space<vmem>>
    %dma_start3A_90 = tpu.memref_squeeze %dma_start3A_89 : memref<1x40x512xf32, #tpu.memory_space<vmem>> -> memref<40x512xf32, #tpu.memory_space<vmem>>
    tpu.enqueue_dma source(%dma_start3A_90 : memref<40x512xf32, #tpu.memory_space<vmem>>) target(%dma_start3A_86 : memref<40x512xf32, #tpu.memory_space<hbm>>) target_semaphore(%arg8 : memref<!tpu.dma_semaphore, #tpu.memory_space<semaphore_mem>>)
    %dma_start3A_91 = arith.constant 3 : i32
    %dma_start3A_92 = arith.constant 0 : i32
    %dma_start3A_93 = arith.constant 0 : i32
    %dma_start3A_94 = tpu.memref_slice %arg6[%dma_start3A_91, %dma_start3A_92, %dma_start3A_93] : memref<4x40x512xf32, #tpu.memory_space<vmem>> -> memref<1x40x512xf32, #tpu.memory_space<vmem>>
    %dma_start3A_95 = tpu.memref_squeeze %dma_start3A_94 : memref<1x40x512xf32, #tpu.memory_space<vmem>> -> memref<40x512xf32, #tpu.memory_space<vmem>>
    %dma_start3A_96 = arith.constant 120 : i32
    %dma_start3A_97 = tpu.memref_slice %arg5[%dma_start3A_96] : memref<6400xi32, #tpu.memory_space<vmem>> -> memref<40xi32, #tpu.memory_space<vmem>>
    %dma_start3A_98 = arith.constant 0 : i32
    %dma_start3A_99 = arith.constant 0 : i32
    %dma_start3A_100 = tpu.memref_slice %arg2[%dma_start3A_98, %dma_start3A_99] : memref<5001x512xf32, #tpu.memory_space<hbm>> -> memref<5001x512xf32, #tpu.memory_space<hbm>>
    tpu.enqueue_indirect_dma source(%dma_start3A_100 : memref<5001x512xf32, #tpu.memory_space<hbm>>) target(%dma_start3A_95 : memref<40x512xf32, #tpu.memory_space<vmem>>) offsets(%dma_start3A_97 : memref<40xi32, #tpu.memory_space<vmem>>) semaphore(%arg7 : memref<!tpu.dma_semaphore, #tpu.memory_space<semaphore_mem>>)
    %dma_wait3A_101 = arith.constant 2 : i32
    %dma_wait3A_102 = arith.constant 0 : i32
    %dma_wait3A_103 = arith.constant 0 : i32
    %dma_wait3A_104 = tpu.memref_slice %arg6[%dma_wait3A_101, %dma_wait3A_102, %dma_wait3A_103] : memref<4x40x512xf32, #tpu.memory_space<vmem>> -> memref<1x40x512xf32, #tpu.memory_space<vmem>>
    %dma_wait3A_105 = tpu.memref_squeeze %dma_wait3A_104 : memref<1x40x512xf32, #tpu.memory_space<vmem>> -> memref<40x512xf32, #tpu.memory_space<vmem>>
    %dma_wait3A_106 = arith.constant 0 : i32
    %dma_wait3A_107 = arith.constant 0 : i32
    %dma_wait3A_108 = tpu.memref_slice %arg4[%dma_wait3A_106, %dma_wait3A_107] : memref<204800x512xf32, #tpu.memory_space<hbm>> -> memref<40x512xf32, #tpu.memory_space<hbm>>
    %dma_wait3A_109 = arith.constant 0 : i32
    %dma_wait3A_110 = arith.constant 0 : i32
    %dma_wait3A_111 = tpu.memref_slice %arg6[%dma_wait3A_101, %dma_wait3A_109, %dma_wait3A_110] : memref<4x40x512xf32, #tpu.memory_space<vmem>> -> memref<1x40x512xf32, #tpu.memory_space<vmem>>
    %dma_wait3A_112 = tpu.memref_squeeze %dma_wait3A_111 : memref<1x40x512xf32, #tpu.memory_space<vmem>> -> memref<40x512xf32, #tpu.memory_space<vmem>>
    %dma_wait3A_113 = arith.constant 0 : i32
    %dma_wait3A_114 = arith.constant 0 : i32
    %dma_wait3A_115 = tpu.memref_slice %arg4[%dma_wait3A_113, %dma_wait3A_114] : memref<204800x512xf32, #tpu.memory_space<hbm>> -> memref<40x512xf32, #tpu.memory_space<hbm>>
    tpu.wait_dma2 semaphore(%arg7 : memref<!tpu.dma_semaphore, #tpu.memory_space<semaphore_mem>>) src(%dma_wait3A_115 : memref<40x512xf32, #tpu.memory_space<hbm>>) dst(%dma_wait3A_112 : memref<40x512xf32, #tpu.memory_space<vmem>>)
    %add3A_116 = arith.constant 80 : i32
    %add3A_117 = arith.addi %mul3A_2, %add3A_116 : i32
    %dma_start3A_118 = arith.constant 2 : i32
    %dma_start3A_119 = arith.constant 0 : i32
    %dma_start3A_120 = arith.constant 0 : i32
    %dma_start3A_121 = tpu.memref_slice %arg6[%dma_start3A_118, %dma_start3A_119, %dma_start3A_120] : memref<4x40x512xf32, #tpu.memory_space<vmem>> -> memref<1x40x512xf32, #tpu.memory_space<vmem>>
    %dma_start3A_122 = tpu.memref_squeeze %dma_start3A_121 : memref<1x40x512xf32, #tpu.memory_space<vmem>> -> memref<40x512xf32, #tpu.memory_space<vmem>>
    %dma_start3A_123 = arith.constant 0 : i32
    %dma_start3A_124 = tpu.memref_slice %arg4[%add3A_117, %dma_start3A_123] : memref<204800x512xf32, #tpu.memory_space<hbm>> -> memref<40x512xf32, #tpu.memory_space<hbm>>
    %dma_start3A_125 = arith.constant 0 : i32
    %dma_start3A_126 = tpu.memref_slice %arg4[%add3A_117, %dma_start3A_125] : memref<204800x512xf32, #tpu.memory_space<hbm>> -> memref<40x512xf32, #tpu.memory_space<hbm>>
    %dma_start3A_127 = arith.constant 0 : i32
    %dma_start3A_128 = arith.constant 0 : i32
    %dma_start3A_129 = tpu.memref_slice %arg6[%dma_start3A_118, %dma_start3A_127, %dma_start3A_128] : memref<4x40x512xf32, #tpu.memory_space<vmem>> -> memref<1x40x512xf32, #tpu.memory_space<vmem>>
    %dma_start3A_130 = tpu.memref_squeeze %dma_start3A_129 : memref<1x40x512xf32, #tpu.memory_space<vmem>> -> memref<40x512xf32, #tpu.memory_space<vmem>>
    tpu.enqueue_dma source(%dma_start3A_130 : memref<40x512xf32, #tpu.memory_space<vmem>>) target(%dma_start3A_126 : memref<40x512xf32, #tpu.memory_space<hbm>>) target_semaphore(%arg8 : memref<!tpu.dma_semaphore, #tpu.memory_space<semaphore_mem>>)
    %dma_wait3A_131 = arith.constant 0 : i32
    %dma_wait3A_132 = arith.constant 0 : i32
    %dma_wait3A_133 = arith.constant 0 : i32
    %dma_wait3A_134 = tpu.memref_slice %arg6[%dma_wait3A_131, %dma_wait3A_132, %dma_wait3A_133] : memref<4x40x512xf32, #tpu.memory_space<vmem>> -> memref<1x40x512xf32, #tpu.memory_space<vmem>>
    %dma_wait3A_135 = tpu.memref_squeeze %dma_wait3A_134 : memref<1x40x512xf32, #tpu.memory_space<vmem>> -> memref<40x512xf32, #tpu.memory_space<vmem>>
    %dma_wait3A_136 = arith.constant 0 : i32
    %dma_wait3A_137 = arith.constant 0 : i32
    %dma_wait3A_138 = tpu.memref_slice %arg4[%dma_wait3A_136, %dma_wait3A_137] : memref<204800x512xf32, #tpu.memory_space<hbm>> -> memref<40x512xf32, #tpu.memory_space<hbm>>
    %dma_wait3A_139 = arith.constant 0 : i32
    %dma_wait3A_140 = arith.constant 0 : i32
    %dma_wait3A_141 = tpu.memref_slice %arg4[%dma_wait3A_139, %dma_wait3A_140] : memref<204800x512xf32, #tpu.memory_space<hbm>> -> memref<40x512xf32, #tpu.memory_space<hbm>>
    %dma_wait3A_142 = arith.constant 0 : i32
    %dma_wait3A_143 = arith.constant 0 : i32
    %dma_wait3A_144 = tpu.memref_slice %arg6[%dma_wait3A_131, %dma_wait3A_142, %dma_wait3A_143] : memref<4x40x512xf32, #tpu.memory_space<vmem>> -> memref<1x40x512xf32, #tpu.memory_space<vmem>>
    %dma_wait3A_145 = tpu.memref_squeeze %dma_wait3A_144 : memref<1x40x512xf32, #tpu.memory_space<vmem>> -> memref<40x512xf32, #tpu.memory_space<vmem>>
    tpu.wait_dma2 semaphore(%arg8 : memref<!tpu.dma_semaphore, #tpu.memory_space<semaphore_mem>>) src(%dma_wait3A_145 : memref<40x512xf32, #tpu.memory_space<vmem>>) dst(%dma_wait3A_141 : memref<40x512xf32, #tpu.memory_space<hbm>>)
    %dma_start3A_146 = arith.constant 0 : i32
    %dma_start3A_147 = arith.constant 0 : i32
    %dma_start3A_148 = arith.constant 0 : i32
    %dma_start3A_149 = tpu.memref_slice %arg6[%dma_start3A_146, %dma_start3A_147, %dma_start3A_148] : memref<4x40x512xf32, #tpu.memory_space<vmem>> -> memref<1x40x512xf32, #tpu.memory_space<vmem>>
    %dma_start3A_150 = tpu.memref_squeeze %dma_start3A_149 : memref<1x40x512xf32, #tpu.memory_space<vmem>> -> memref<40x512xf32, #tpu.memory_space<vmem>>
    %dma_start3A_151 = arith.constant 160 : i32
    %dma_start3A_152 = tpu.memref_slice %arg5[%dma_start3A_151] : memref<6400xi32, #tpu.memory_space<vmem>> -> memref<40xi32, #tpu.memory_space<vmem>>
    %dma_start3A_153 = arith.constant 0 : i32
    %dma_start3A_154 = arith.constant 0 : i32
    %dma_start3A_155 = tpu.memref_slice %arg2[%dma_start3A_153, %dma_start3A_154] : memref<5001x512xf32, #tpu.memory_space<hbm>> -> memref<5001x512xf32, #tpu.memory_space<hbm>>
    tpu.enqueue_indirect_dma source(%dma_start3A_155 : memref<5001x512xf32, #tpu.memory_space<hbm>>) target(%dma_start3A_150 : memref<40x512xf32, #tpu.memory_space<vmem>>) offsets(%dma_start3A_152 : memref<40xi32, #tpu.memory_space<vmem>>) semaphore(%arg7 : memref<!tpu.dma_semaphore, #tpu.memory_space<semaphore_mem>>)
    %dma_wait3A_156 = arith.constant 3 : i32
    %dma_wait3A_157 = arith.constant 0 : i32
    %dma_wait3A_158 = arith.constant 0 : i32
    %dma_wait3A_159 = tpu.memref_slice %arg6[%dma_wait3A_156, %dma_wait3A_157, %dma_wait3A_158] : memref<4x40x512xf32, #tpu.memory_space<vmem>> -> memref<1x40x512xf32, #tpu.memory_space<vmem>>
    %dma_wait3A_160 = tpu.memref_squeeze %dma_wait3A_159 : memref<1x40x512xf32, #tpu.memory_space<vmem>> -> memref<40x512xf32, #tpu.memory_space<vmem>>
    %dma_wait3A_161 = arith.constant 0 : i32
    %dma_wait3A_162 = arith.constant 0 : i32
    %dma_wait3A_163 = tpu.memref_slice %arg4[%dma_wait3A_161, %dma_wait3A_162] : memref<204800x512xf32, #tpu.memory_space<hbm>> -> memref<40x512xf32, #tpu.memory_space<hbm>>
    %dma_wait3A_164 = arith.constant 0 : i32
    %dma_wait3A_165 = arith.constant 0 : i32
    %dma_wait3A_166 = tpu.memref_slice %arg6[%dma_wait3A_156, %dma_wait3A_164, %dma_wait3A_165] : memref<4x40x512xf32, #tpu.memory_space<vmem>> -> memref<1x40x512xf32, #tpu.memory_space<vmem>>
    %dma_wait3A_167 = tpu.memref_squeeze %dma_wait3A_166 : memref<1x40x512xf32, #tpu.memory_space<vmem>> -> memref<40x512xf32, #tpu.memory_space<vmem>>
    %dma_wait3A_168 = arith.constant 0 : i32
    %dma_wait3A_169 = arith.constant 0 : i32
    %dma_wait3A_170 = tpu.memref_slice %arg4[%dma_wait3A_168, %dma_wait3A_169] : memref<204800x512xf32, #tpu.memory_space<hbm>> -> memref<40x512xf32, #tpu.memory_space<hbm>>
    tpu.wait_dma2 semaphore(%arg7 : memref<!tpu.dma_semaphore, #tpu.memory_space<semaphore_mem>>) src(%dma_wait3A_170 : memref<40x512xf32, #tpu.memory_space<hbm>>) dst(%dma_wait3A_167 : memref<40x512xf32, #tpu.memory_space<vmem>>)
    %add3A_171 = arith.constant 120 : i32
    %add3A_172 = arith.addi %mul3A_2, %add3A_171 : i32
    %dma_start3A_173 = arith.constant 3 : i32
    %dma_start3A_174 = arith.constant 0 : i32
    %dma_start3A_175 = arith.constant 0 : i32
    %dma_start3A_176 = tpu.memref_slice %arg6[%dma_start3A_173, %dma_start3A_174, %dma_start3A_175] : memref<4x40x512xf32, #tpu.memory_space<vmem>> -> memref<1x40x512xf32, #tpu.memory_space<vmem>>
    %dma_start3A_177 = tpu.memref_squeeze %dma_start3A_176 : memref<1x40x512xf32, #tpu.memory_space<vmem>> -> memref<40x512xf32, #tpu.memory_space<vmem>>
    %dma_start3A_178 = arith.constant 0 : i32
    %dma_start3A_179 = tpu.memref_slice %arg4[%add3A_172, %dma_start3A_178] : memref<204800x512xf32, #tpu.memory_space<hbm>> -> memref<40x512xf32, #tpu.memory_space<hbm>>
    %dma_start3A_180 = arith.constant 0 : i32
    %dma_start3A_181 = tpu.memref_slice %arg4[%add3A_172, %dma_start3A_180] : memref<204800x512xf32, #tpu.memory_space<hbm>> -> memref<40x512xf32, #tpu.memory_space<hbm>>
    %dma_start3A_182 = arith.constant 0 : i32
    %dma_start3A_183 = arith.constant 0 : i32
    %dma_start3A_184 = tpu.memref_slice %arg6[%dma_start3A_173, %dma_start3A_182, %dma_start3A_183] : memref<4x40x512xf32, #tpu.memory_space<vmem>> -> memref<1x40x512xf32, #tpu.memory_space<vmem>>
    %dma_start3A_185 = tpu.memref_squeeze %dma_start3A_184 : memref<1x40x512xf32, #tpu.memory_space<vmem>> -> memref<40x512xf32, #tpu.memory_space<vmem>>
    tpu.enqueue_dma source(%dma_start3A_185 : memref<40x512xf32, #tpu.memory_space<vmem>>) target(%dma_start3A_181 : memref<40x512xf32, #tpu.memory_space<hbm>>) target_semaphore(%arg8 : memref<!tpu.dma_semaphore, #tpu.memory_space<semaphore_mem>>)
    %dma_wait3A_186 = arith.constant 1 : i32
    %dma_wait3A_187 = arith.constant 0 : i32
    %dma_wait3A_188 = arith.constant 0 : i32
    %dma_wait3A_189 = tpu.memref_slice %arg6[%dma_wait3A_186, %dma_wait3A_187, %dma_wait3A_188] : memref<4x40x512xf32, #tpu.memory_space<vmem>> -> memref<1x40x512xf32, #tpu.memory_space<vmem>>
    %dma_wait3A_190 = tpu.memref_squeeze %dma_wait3A_189 : memref<1x40x512xf32, #tpu.memory_space<vmem>> -> memref<40x512xf32, #tpu.memory_space<vmem>>
    %dma_wait3A_191 = arith.constant 0 : i32
    %dma_wait3A_192 = arith.constant 0 : i32
    %dma_wait3A_193 = tpu.memref_slice %arg4[%dma_wait3A_191, %dma_wait3A_192] : memref<204800x512xf32, #tpu.memory_space<hbm>> -> memref<40x512xf32, #tpu.memory_space<hbm>>
    %dma_wait3A_194 = arith.constant 0 : i32
    %dma_wait3A_195 = arith.constant 0 : i32
    %dma_wait3A_196 = tpu.memref_slice %arg4[%dma_wait3A_194, %dma_wait3A_195] : memref<204800x512xf32, #tpu.memory_space<hbm>> -> memref<40x512xf32, #tpu.memory_space<hbm>>
    %dma_wait3A_197 = arith.constant 0 : i32
    %dma_wait3A_198 = arith.constant 0 : i32
    %dma_wait3A_199 = tpu.memref_slice %arg6[%dma_wait3A_186, %dma_wait3A_197, %dma_wait3A_198] : memref<4x40x512xf32, #tpu.memory_space<vmem>> -> memref<1x40x512xf32, #tpu.memory_space<vmem>>
    %dma_wait3A_200 = tpu.memref_squeeze %dma_wait3A_199 : memref<1x40x512xf32, #tpu.memory_space<vmem>> -> memref<40x512xf32, #tpu.memory_space<vmem>>
    tpu.wait_dma2 semaphore(%arg8 : memref<!tpu.dma_semaphore, #tpu.memory_space<semaphore_mem>>) src(%dma_wait3A_200 : memref<40x512xf32, #tpu.memory_space<vmem>>) dst(%dma_wait3A_196 : memref<40x512xf32, #tpu.memory_space<hbm>>)
    %dma_start3A_201 = arith.constant 1 : i32
    %dma_start3A_202 = arith.constant 0 : i32
    %dma_start3A_203 = arith.constant 0 : i32
    %dma_start3A_204 = tpu.memref_slice %arg6[%dma_start3A_201, %dma_start3A_202, %dma_start3A_203] : memref<4x40x512xf32, #tpu.memory_space<vmem>> -> memref<1x40x512xf32, #tpu.memory_space<vmem>>
    %dma_start3A_205 = tpu.memref_squeeze %dma_start3A_204 : memref<1x40x512xf32, #tpu.memory_space<vmem>> -> memref<40x512xf32, #tpu.memory_space<vmem>>
    %dma_start3A_206 = arith.constant 200 : i32
    %dma_start3A_207 = tpu.memref_slice %arg5[%dma_start3A_206] : memref<6400xi32, #tpu.memory_space<vmem>> -> memref<40xi32, #tpu.memory_space<vmem>>
    %dma_start3A_208 = arith.constant 0 : i32
    %dma_start3A_209 = arith.constant 0 : i32
    %dma_start3A_210 = tpu.memref_slice %arg2[%dma_start3A_208, %dma_start3A_209] : memref<5001x512xf32, #tpu.memory_space<hbm>> -> memref<5001x512xf32, #tpu.memory_space<hbm>>
    tpu.enqueue_indirect_dma source(%dma_start3A_210 : memref<5001x512xf32, #tpu.memory_space<hbm>>) target(%dma_start3A_205 : memref<40x512xf32, #tpu.memory_space<vmem>>) offsets(%dma_start3A_207 : memref<40xi32, #tpu.memory_space<vmem>>) semaphore(%arg7 : memref<!tpu.dma_semaphore, #tpu.memory_space<semaphore_mem>>)
    %scan3A = arith.constant 0 : i32
    %scan3A_211 = arith.constant 1 : i32
    %scan3A_212 = arith.constant 38 : i32
    %scan3A_213 = arith.addi %scan3A_211, %scan3A_212 : i32
    %scan3A_214 = arith.constant 1 : i32
    scf.for %scan3A_446 = %scan3A_211 to %scan3A_213 step %scan3A_214  : i32 {
      %mul3A_447 = arith.constant 4 : i32
      %mul3A_448 = arith.muli %scan3A_446, %mul3A_447 : i32
      %dma_wait3A_449 = arith.constant 0 : i32
      %dma_wait3A_450 = arith.constant 0 : i32
      %dma_wait3A_451 = arith.constant 0 : i32
      %dma_wait3A_452 = tpu.memref_slice %arg6[%dma_wait3A_449, %dma_wait3A_450, %dma_wait3A_451] : memref<4x40x512xf32, #tpu.memory_space<vmem>> -> memref<1x40x512xf32, #tpu.memory_space<vmem>>
      %dma_wait3A_453 = tpu.memref_squeeze %dma_wait3A_452 : memref<1x40x512xf32, #tpu.memory_space<vmem>> -> memref<40x512xf32, #tpu.memory_space<vmem>>
      %dma_wait3A_454 = arith.constant 0 : i32
      %dma_wait3A_455 = arith.constant 0 : i32
      %dma_wait3A_456 = tpu.memref_slice %arg4[%dma_wait3A_454, %dma_wait3A_455] : memref<204800x512xf32, #tpu.memory_space<hbm>> -> memref<40x512xf32, #tpu.memory_space<hbm>>
      %dma_wait3A_457 = arith.constant 0 : i32
      %dma_wait3A_458 = arith.constant 0 : i32
      %dma_wait3A_459 = tpu.memref_slice %arg6[%dma_wait3A_449, %dma_wait3A_457, %dma_wait3A_458] : memref<4x40x512xf32, #tpu.memory_space<vmem>> -> memref<1x40x512xf32, #tpu.memory_space<vmem>>
      %dma_wait3A_460 = tpu.memref_squeeze %dma_wait3A_459 : memref<1x40x512xf32, #tpu.memory_space<vmem>> -> memref<40x512xf32, #tpu.memory_space<vmem>>
      %dma_wait3A_461 = arith.constant 0 : i32
      %dma_wait3A_462 = arith.constant 0 : i32
      %dma_wait3A_463 = tpu.memref_slice %arg4[%dma_wait3A_461, %dma_wait3A_462] : memref<204800x512xf32, #tpu.memory_space<hbm>> -> memref<40x512xf32, #tpu.memory_space<hbm>>
      tpu.wait_dma2 semaphore(%arg7 : memref<!tpu.dma_semaphore, #tpu.memory_space<semaphore_mem>>) src(%dma_wait3A_463 : memref<40x512xf32, #tpu.memory_space<hbm>>) dst(%dma_wait3A_460 : memref<40x512xf32, #tpu.memory_space<vmem>>)
      %add3A_464 = arith.constant 0 : i32
      %add3A_465 = arith.addi %mul3A_448, %add3A_464 : i32
      %mul3A_466 = arith.constant 40 : i32
      %mul3A_467 = arith.muli %add3A_465, %mul3A_466 : i32
      %add3A_468 = arith.addi %mul3A_2, %mul3A_467 : i32
      %dma_start3A_469 = arith.constant 0 : i32
      %dma_start3A_470 = arith.constant 0 : i32
      %dma_start3A_471 = arith.constant 0 : i32
      %dma_start3A_472 = tpu.memref_slice %arg6[%dma_start3A_469, %dma_start3A_470, %dma_start3A_471] : memref<4x40x512xf32, #tpu.memory_space<vmem>> -> memref<1x40x512xf32, #tpu.memory_space<vmem>>
      %dma_start3A_473 = tpu.memref_squeeze %dma_start3A_472 : memref<1x40x512xf32, #tpu.memory_space<vmem>> -> memref<40x512xf32, #tpu.memory_space<vmem>>
      %dma_start3A_474 = arith.constant 0 : i32
      %dma_start3A_475 = tpu.memref_slice %arg4[%add3A_468, %dma_start3A_474] : memref<204800x512xf32, #tpu.memory_space<hbm>> -> memref<40x512xf32, #tpu.memory_space<hbm>>
      %dma_start3A_476 = arith.constant 0 : i32
      %dma_start3A_477 = tpu.memref_slice %arg4[%add3A_468, %dma_start3A_476] : memref<204800x512xf32, #tpu.memory_space<hbm>> -> memref<40x512xf32, #tpu.memory_space<hbm>>
      %dma_start3A_478 = arith.constant 0 : i32
      %dma_start3A_479 = arith.constant 0 : i32
      %dma_start3A_480 = tpu.memref_slice %arg6[%dma_start3A_469, %dma_start3A_478, %dma_start3A_479] : memref<4x40x512xf32, #tpu.memory_space<vmem>> -> memref<1x40x512xf32, #tpu.memory_space<vmem>>
      %dma_start3A_481 = tpu.memref_squeeze %dma_start3A_480 : memref<1x40x512xf32, #tpu.memory_space<vmem>> -> memref<40x512xf32, #tpu.memory_space<vmem>>
      tpu.enqueue_dma source(%dma_start3A_481 : memref<40x512xf32, #tpu.memory_space<vmem>>) target(%dma_start3A_477 : memref<40x512xf32, #tpu.memory_space<hbm>>) target_semaphore(%arg8 : memref<!tpu.dma_semaphore, #tpu.memory_space<semaphore_mem>>)
      %dma_wait3A_482 = arith.constant 2 : i32
      %dma_wait3A_483 = arith.constant 0 : i32
      %dma_wait3A_484 = arith.constant 0 : i32
      %dma_wait3A_485 = tpu.memref_slice %arg6[%dma_wait3A_482, %dma_wait3A_483, %dma_wait3A_484] : memref<4x40x512xf32, #tpu.memory_space<vmem>> -> memref<1x40x512xf32, #tpu.memory_space<vmem>>
      %dma_wait3A_486 = tpu.memref_squeeze %dma_wait3A_485 : memref<1x40x512xf32, #tpu.memory_space<vmem>> -> memref<40x512xf32, #tpu.memory_space<vmem>>
      %dma_wait3A_487 = arith.constant 0 : i32
      %dma_wait3A_488 = arith.constant 0 : i32
      %dma_wait3A_489 = tpu.memref_slice %arg4[%dma_wait3A_487, %dma_wait3A_488] : memref<204800x512xf32, #tpu.memory_space<hbm>> -> memref<40x512xf32, #tpu.memory_space<hbm>>
      %dma_wait3A_490 = arith.constant 0 : i32
      %dma_wait3A_491 = arith.constant 0 : i32
      %dma_wait3A_492 = tpu.memref_slice %arg4[%dma_wait3A_490, %dma_wait3A_491] : memref<204800x512xf32, #tpu.memory_space<hbm>> -> memref<40x512xf32, #tpu.memory_space<hbm>>
      %dma_wait3A_493 = arith.constant 0 : i32
      %dma_wait3A_494 = arith.constant 0 : i32
      %dma_wait3A_495 = tpu.memref_slice %arg6[%dma_wait3A_482, %dma_wait3A_493, %dma_wait3A_494] : memref<4x40x512xf32, #tpu.memory_space<vmem>> -> memref<1x40x512xf32, #tpu.memory_space<vmem>>
      %dma_wait3A_496 = tpu.memref_squeeze %dma_wait3A_495 : memref<1x40x512xf32, #tpu.memory_space<vmem>> -> memref<40x512xf32, #tpu.memory_space<vmem>>
      tpu.wait_dma2 semaphore(%arg8 : memref<!tpu.dma_semaphore, #tpu.memory_space<semaphore_mem>>) src(%dma_wait3A_496 : memref<40x512xf32, #tpu.memory_space<vmem>>) dst(%dma_wait3A_492 : memref<40x512xf32, #tpu.memory_space<hbm>>)
      %add3A_497 = arith.constant 0 : i32
      %add3A_498 = arith.addi %mul3A_448, %add3A_497 : i32
      %add3A_499 = arith.constant 2 : i32
      %add3A_500 = arith.addi %add3A_498, %add3A_499 : i32
      %mul3A_501 = arith.constant 40 : i32
      %mul3A_502 = arith.muli %add3A_500, %mul3A_501 : i32
      %dma_start3A_503 = arith.constant 2 : i32
      %dma_start3A_504 = arith.constant 0 : i32
      %dma_start3A_505 = arith.constant 0 : i32
      %dma_start3A_506 = tpu.memref_slice %arg6[%dma_start3A_503, %dma_start3A_504, %dma_start3A_505] : memref<4x40x512xf32, #tpu.memory_space<vmem>> -> memref<1x40x512xf32, #tpu.memory_space<vmem>>
      %dma_start3A_507 = tpu.memref_squeeze %dma_start3A_506 : memref<1x40x512xf32, #tpu.memory_space<vmem>> -> memref<40x512xf32, #tpu.memory_space<vmem>>
      %dma_start3A_508 = tpu.memref_slice %arg5[%mul3A_502] : memref<6400xi32, #tpu.memory_space<vmem>> -> memref<40xi32, #tpu.memory_space<vmem>>
      %dma_start3A_509 = arith.constant 0 : i32
      %dma_start3A_510 = arith.constant 0 : i32
      %dma_start3A_511 = tpu.memref_slice %arg2[%dma_start3A_509, %dma_start3A_510] : memref<5001x512xf32, #tpu.memory_space<hbm>> -> memref<5001x512xf32, #tpu.memory_space<hbm>>
      tpu.enqueue_indirect_dma source(%dma_start3A_511 : memref<5001x512xf32, #tpu.memory_space<hbm>>) target(%dma_start3A_507 : memref<40x512xf32, #tpu.memory_space<vmem>>) offsets(%dma_start3A_508 : memref<40xi32, #tpu.memory_space<vmem>>) semaphore(%arg7 : memref<!tpu.dma_semaphore, #tpu.memory_space<semaphore_mem>>)
      %dma_wait3A_512 = arith.constant 1 : i32
      %dma_wait3A_513 = arith.constant 0 : i32
      %dma_wait3A_514 = arith.constant 0 : i32
      %dma_wait3A_515 = tpu.memref_slice %arg6[%dma_wait3A_512, %dma_wait3A_513, %dma_wait3A_514] : memref<4x40x512xf32, #tpu.memory_space<vmem>> -> memref<1x40x512xf32, #tpu.memory_space<vmem>>
      %dma_wait3A_516 = tpu.memref_squeeze %dma_wait3A_515 : memref<1x40x512xf32, #tpu.memory_space<vmem>> -> memref<40x512xf32, #tpu.memory_space<vmem>>
      %dma_wait3A_517 = arith.constant 0 : i32
      %dma_wait3A_518 = arith.constant 0 : i32
      %dma_wait3A_519 = tpu.memref_slice %arg4[%dma_wait3A_517, %dma_wait3A_518] : memref<204800x512xf32, #tpu.memory_space<hbm>> -> memref<40x512xf32, #tpu.memory_space<hbm>>
      %dma_wait3A_520 = arith.constant 0 : i32
      %dma_wait3A_521 = arith.constant 0 : i32
      %dma_wait3A_522 = tpu.memref_slice %arg6[%dma_wait3A_512, %dma_wait3A_520, %dma_wait3A_521] : memref<4x40x512xf32, #tpu.memory_space<vmem>> -> memref<1x40x512xf32, #tpu.memory_space<vmem>>
      %dma_wait3A_523 = tpu.memref_squeeze %dma_wait3A_522 : memref<1x40x512xf32, #tpu.memory_space<vmem>> -> memref<40x512xf32, #tpu.memory_space<vmem>>
      %dma_wait3A_524 = arith.constant 0 : i32
      %dma_wait3A_525 = arith.constant 0 : i32
      %dma_wait3A_526 = tpu.memref_slice %arg4[%dma_wait3A_524, %dma_wait3A_525] : memref<204800x512xf32, #tpu.memory_space<hbm>> -> memref<40x512xf32, #tpu.memory_space<hbm>>
      tpu.wait_dma2 semaphore(%arg7 : memref<!tpu.dma_semaphore, #tpu.memory_space<semaphore_mem>>) src(%dma_wait3A_526 : memref<40x512xf32, #tpu.memory_space<hbm>>) dst(%dma_wait3A_523 : memref<40x512xf32, #tpu.memory_space<vmem>>)
      %add3A_527 = arith.constant 1 : i32
      %add3A_528 = arith.addi %mul3A_448, %add3A_527 : i32
      %mul3A_529 = arith.constant 40 : i32
      %mul3A_530 = arith.muli %add3A_528, %mul3A_529 : i32
      %add3A_531 = arith.addi %mul3A_2, %mul3A_530 : i32
      %dma_start3A_532 = arith.constant 1 : i32
      %dma_start3A_533 = arith.constant 0 : i32
      %dma_start3A_534 = arith.constant 0 : i32
      %dma_start3A_535 = tpu.memref_slice %arg6[%dma_start3A_532, %dma_start3A_533, %dma_start3A_534] : memref<4x40x512xf32, #tpu.memory_space<vmem>> -> memref<1x40x512xf32, #tpu.memory_space<vmem>>
      %dma_start3A_536 = tpu.memref_squeeze %dma_start3A_535 : memref<1x40x512xf32, #tpu.memory_space<vmem>> -> memref<40x512xf32, #tpu.memory_space<vmem>>
      %dma_start3A_537 = arith.constant 0 : i32
      %dma_start3A_538 = tpu.memref_slice %arg4[%add3A_531, %dma_start3A_537] : memref<204800x512xf32, #tpu.memory_space<hbm>> -> memref<40x512xf32, #tpu.memory_space<hbm>>
      %dma_start3A_539 = arith.constant 0 : i32
      %dma_start3A_540 = tpu.memref_slice %arg4[%add3A_531, %dma_start3A_539] : memref<204800x512xf32, #tpu.memory_space<hbm>> -> memref<40x512xf32, #tpu.memory_space<hbm>>
      %dma_start3A_541 = arith.constant 0 : i32
      %dma_start3A_542 = arith.constant 0 : i32
      %dma_start3A_543 = tpu.memref_slice %arg6[%dma_start3A_532, %dma_start3A_541, %dma_start3A_542] : memref<4x40x512xf32, #tpu.memory_space<vmem>> -> memref<1x40x512xf32, #tpu.memory_space<vmem>>
      %dma_start3A_544 = tpu.memref_squeeze %dma_start3A_543 : memref<1x40x512xf32, #tpu.memory_space<vmem>> -> memref<40x512xf32, #tpu.memory_space<vmem>>
      tpu.enqueue_dma source(%dma_start3A_544 : memref<40x512xf32, #tpu.memory_space<vmem>>) target(%dma_start3A_540 : memref<40x512xf32, #tpu.memory_space<hbm>>) target_semaphore(%arg8 : memref<!tpu.dma_semaphore, #tpu.memory_space<semaphore_mem>>)
      %dma_wait3A_545 = arith.constant 3 : i32
      %dma_wait3A_546 = arith.constant 0 : i32
      %dma_wait3A_547 = arith.constant 0 : i32
      %dma_wait3A_548 = tpu.memref_slice %arg6[%dma_wait3A_545, %dma_wait3A_546, %dma_wait3A_547] : memref<4x40x512xf32, #tpu.memory_space<vmem>> -> memref<1x40x512xf32, #tpu.memory_space<vmem>>
      %dma_wait3A_549 = tpu.memref_squeeze %dma_wait3A_548 : memref<1x40x512xf32, #tpu.memory_space<vmem>> -> memref<40x512xf32, #tpu.memory_space<vmem>>
      %dma_wait3A_550 = arith.constant 0 : i32
      %dma_wait3A_551 = arith.constant 0 : i32
      %dma_wait3A_552 = tpu.memref_slice %arg4[%dma_wait3A_550, %dma_wait3A_551] : memref<204800x512xf32, #tpu.memory_space<hbm>> -> memref<40x512xf32, #tpu.memory_space<hbm>>
      %dma_wait3A_553 = arith.constant 0 : i32
      %dma_wait3A_554 = arith.constant 0 : i32
      %dma_wait3A_555 = tpu.memref_slice %arg4[%dma_wait3A_553, %dma_wait3A_554] : memref<204800x512xf32, #tpu.memory_space<hbm>> -> memref<40x512xf32, #tpu.memory_space<hbm>>
      %dma_wait3A_556 = arith.constant 0 : i32
      %dma_wait3A_557 = arith.constant 0 : i32
      %dma_wait3A_558 = tpu.memref_slice %arg6[%dma_wait3A_545, %dma_wait3A_556, %dma_wait3A_557] : memref<4x40x512xf32, #tpu.memory_space<vmem>> -> memref<1x40x512xf32, #tpu.memory_space<vmem>>
      %dma_wait3A_559 = tpu.memref_squeeze %dma_wait3A_558 : memref<1x40x512xf32, #tpu.memory_space<vmem>> -> memref<40x512xf32, #tpu.memory_space<vmem>>
      tpu.wait_dma2 semaphore(%arg8 : memref<!tpu.dma_semaphore, #tpu.memory_space<semaphore_mem>>) src(%dma_wait3A_559 : memref<40x512xf32, #tpu.memory_space<vmem>>) dst(%dma_wait3A_555 : memref<40x512xf32, #tpu.memory_space<hbm>>)
      %add3A_560 = arith.constant 1 : i32
      %add3A_561 = arith.addi %mul3A_448, %add3A_560 : i32
      %add3A_562 = arith.constant 2 : i32
      %add3A_563 = arith.addi %add3A_561, %add3A_562 : i32
      %mul3A_564 = arith.constant 40 : i32
      %mul3A_565 = arith.muli %add3A_563, %mul3A_564 : i32
      %dma_start3A_566 = arith.constant 3 : i32
      %dma_start3A_567 = arith.constant 0 : i32
      %dma_start3A_568 = arith.constant 0 : i32
      %dma_start3A_569 = tpu.memref_slice %arg6[%dma_start3A_566, %dma_start3A_567, %dma_start3A_568] : memref<4x40x512xf32, #tpu.memory_space<vmem>> -> memref<1x40x512xf32, #tpu.memory_space<vmem>>
      %dma_start3A_570 = tpu.memref_squeeze %dma_start3A_569 : memref<1x40x512xf32, #tpu.memory_space<vmem>> -> memref<40x512xf32, #tpu.memory_space<vmem>>
      %dma_start3A_571 = tpu.memref_slice %arg5[%mul3A_565] : memref<6400xi32, #tpu.memory_space<vmem>> -> memref<40xi32, #tpu.memory_space<vmem>>
      %dma_start3A_572 = arith.constant 0 : i32
      %dma_start3A_573 = arith.constant 0 : i32
      %dma_start3A_574 = tpu.memref_slice %arg2[%dma_start3A_572, %dma_start3A_573] : memref<5001x512xf32, #tpu.memory_space<hbm>> -> memref<5001x512xf32, #tpu.memory_space<hbm>>
      tpu.enqueue_indirect_dma source(%dma_start3A_574 : memref<5001x512xf32, #tpu.memory_space<hbm>>) target(%dma_start3A_570 : memref<40x512xf32, #tpu.memory_space<vmem>>) offsets(%dma_start3A_571 : memref<40xi32, #tpu.memory_space<vmem>>) semaphore(%arg7 : memref<!tpu.dma_semaphore, #tpu.memory_space<semaphore_mem>>)
      %dma_wait3A_575 = arith.constant 2 : i32
      %dma_wait3A_576 = arith.constant 0 : i32
      %dma_wait3A_577 = arith.constant 0 : i32
      %dma_wait3A_578 = tpu.memref_slice %arg6[%dma_wait3A_575, %dma_wait3A_576, %dma_wait3A_577] : memref<4x40x512xf32, #tpu.memory_space<vmem>> -> memref<1x40x512xf32, #tpu.memory_space<vmem>>
      %dma_wait3A_579 = tpu.memref_squeeze %dma_wait3A_578 : memref<1x40x512xf32, #tpu.memory_space<vmem>> -> memref<40x512xf32, #tpu.memory_space<vmem>>
      %dma_wait3A_580 = arith.constant 0 : i32
      %dma_wait3A_581 = arith.constant 0 : i32
      %dma_wait3A_582 = tpu.memref_slice %arg4[%dma_wait3A_580, %dma_wait3A_581] : memref<204800x512xf32, #tpu.memory_space<hbm>> -> memref<40x512xf32, #tpu.memory_space<hbm>>
      %dma_wait3A_583 = arith.constant 0 : i32
      %dma_wait3A_584 = arith.constant 0 : i32
      %dma_wait3A_585 = tpu.memref_slice %arg6[%dma_wait3A_575, %dma_wait3A_583, %dma_wait3A_584] : memref<4x40x512xf32, #tpu.memory_space<vmem>> -> memref<1x40x512xf32, #tpu.memory_space<vmem>>
      %dma_wait3A_586 = tpu.memref_squeeze %dma_wait3A_585 : memref<1x40x512xf32, #tpu.memory_space<vmem>> -> memref<40x512xf32, #tpu.memory_space<vmem>>
      %dma_wait3A_587 = arith.constant 0 : i32
      %dma_wait3A_588 = arith.constant 0 : i32
      %dma_wait3A_589 = tpu.memref_slice %arg4[%dma_wait3A_587, %dma_wait3A_588] : memref<204800x512xf32, #tpu.memory_space<hbm>> -> memref<40x512xf32, #tpu.memory_space<hbm>>
      tpu.wait_dma2 semaphore(%arg7 : memref<!tpu.dma_semaphore, #tpu.memory_space<semaphore_mem>>) src(%dma_wait3A_589 : memref<40x512xf32, #tpu.memory_space<hbm>>) dst(%dma_wait3A_586 : memref<40x512xf32, #tpu.memory_space<vmem>>)
      %add3A_590 = arith.constant 2 : i32
      %add3A_591 = arith.addi %mul3A_448, %add3A_590 : i32
      %mul3A_592 = arith.constant 40 : i32
      %mul3A_593 = arith.muli %add3A_591, %mul3A_592 : i32
      %add3A_594 = arith.addi %mul3A_2, %mul3A_593 : i32
      %dma_start3A_595 = arith.constant 2 : i32
      %dma_start3A_596 = arith.constant 0 : i32
      %dma_start3A_597 = arith.constant 0 : i32
      %dma_start3A_598 = tpu.memref_slice %arg6[%dma_start3A_595, %dma_start3A_596, %dma_start3A_597] : memref<4x40x512xf32, #tpu.memory_space<vmem>> -> memref<1x40x512xf32, #tpu.memory_space<vmem>>
      %dma_start3A_599 = tpu.memref_squeeze %dma_start3A_598 : memref<1x40x512xf32, #tpu.memory_space<vmem>> -> memref<40x512xf32, #tpu.memory_space<vmem>>
      %dma_start3A_600 = arith.constant 0 : i32
      %dma_start3A_601 = tpu.memref_slice %arg4[%add3A_594, %dma_start3A_600] : memref<204800x512xf32, #tpu.memory_space<hbm>> -> memref<40x512xf32, #tpu.memory_space<hbm>>
      %dma_start3A_602 = arith.constant 0 : i32
      %dma_start3A_603 = tpu.memref_slice %arg4[%add3A_594, %dma_start3A_602] : memref<204800x512xf32, #tpu.memory_space<hbm>> -> memref<40x512xf32, #tpu.memory_space<hbm>>
      %dma_start3A_604 = arith.constant 0 : i32
      %dma_start3A_605 = arith.constant 0 : i32
      %dma_start3A_606 = tpu.memref_slice %arg6[%dma_start3A_595, %dma_start3A_604, %dma_start3A_605] : memref<4x40x512xf32, #tpu.memory_space<vmem>> -> memref<1x40x512xf32, #tpu.memory_space<vmem>>
      %dma_start3A_607 = tpu.memref_squeeze %dma_start3A_606 : memref<1x40x512xf32, #tpu.memory_space<vmem>> -> memref<40x512xf32, #tpu.memory_space<vmem>>
      tpu.enqueue_dma source(%dma_start3A_607 : memref<40x512xf32, #tpu.memory_space<vmem>>) target(%dma_start3A_603 : memref<40x512xf32, #tpu.memory_space<hbm>>) target_semaphore(%arg8 : memref<!tpu.dma_semaphore, #tpu.memory_space<semaphore_mem>>)
      %dma_wait3A_608 = arith.constant 0 : i32
      %dma_wait3A_609 = arith.constant 0 : i32
      %dma_wait3A_610 = arith.constant 0 : i32
      %dma_wait3A_611 = tpu.memref_slice %arg6[%dma_wait3A_608, %dma_wait3A_609, %dma_wait3A_610] : memref<4x40x512xf32, #tpu.memory_space<vmem>> -> memref<1x40x512xf32, #tpu.memory_space<vmem>>
      %dma_wait3A_612 = tpu.memref_squeeze %dma_wait3A_611 : memref<1x40x512xf32, #tpu.memory_space<vmem>> -> memref<40x512xf32, #tpu.memory_space<vmem>>
      %dma_wait3A_613 = arith.constant 0 : i32
      %dma_wait3A_614 = arith.constant 0 : i32
      %dma_wait3A_615 = tpu.memref_slice %arg4[%dma_wait3A_613, %dma_wait3A_614] : memref<204800x512xf32, #tpu.memory_space<hbm>> -> memref<40x512xf32, #tpu.memory_space<hbm>>
      %dma_wait3A_616 = arith.constant 0 : i32
      %dma_wait3A_617 = arith.constant 0 : i32
      %dma_wait3A_618 = tpu.memref_slice %arg4[%dma_wait3A_616, %dma_wait3A_617] : memref<204800x512xf32, #tpu.memory_space<hbm>> -> memref<40x512xf32, #tpu.memory_space<hbm>>
      %dma_wait3A_619 = arith.constant 0 : i32
      %dma_wait3A_620 = arith.constant 0 : i32
      %dma_wait3A_621 = tpu.memref_slice %arg6[%dma_wait3A_608, %dma_wait3A_619, %dma_wait3A_620] : memref<4x40x512xf32, #tpu.memory_space<vmem>> -> memref<1x40x512xf32, #tpu.memory_space<vmem>>
      %dma_wait3A_622 = tpu.memref_squeeze %dma_wait3A_621 : memref<1x40x512xf32, #tpu.memory_space<vmem>> -> memref<40x512xf32, #tpu.memory_space<vmem>>
      tpu.wait_dma2 semaphore(%arg8 : memref<!tpu.dma_semaphore, #tpu.memory_space<semaphore_mem>>) src(%dma_wait3A_622 : memref<40x512xf32, #tpu.memory_space<vmem>>) dst(%dma_wait3A_618 : memref<40x512xf32, #tpu.memory_space<hbm>>)
      %add3A_623 = arith.constant 2 : i32
      %add3A_624 = arith.addi %mul3A_448, %add3A_623 : i32
      %add3A_625 = arith.constant 2 : i32
      %add3A_626 = arith.addi %add3A_624, %add3A_625 : i32
      %mul3A_627 = arith.constant 40 : i32
      %mul3A_628 = arith.muli %add3A_626, %mul3A_627 : i32
      %dma_start3A_629 = arith.constant 0 : i32
      %dma_start3A_630 = arith.constant 0 : i32
      %dma_start3A_631 = arith.constant 0 : i32
      %dma_start3A_632 = tpu.memref_slice %arg6[%dma_start3A_629, %dma_start3A_630, %dma_start3A_631] : memref<4x40x512xf32, #tpu.memory_space<vmem>> -> memref<1x40x512xf32, #tpu.memory_space<vmem>>
      %dma_start3A_633 = tpu.memref_squeeze %dma_start3A_632 : memref<1x40x512xf32, #tpu.memory_space<vmem>> -> memref<40x512xf32, #tpu.memory_space<vmem>>
      %dma_start3A_634 = tpu.memref_slice %arg5[%mul3A_628] : memref<6400xi32, #tpu.memory_space<vmem>> -> memref<40xi32, #tpu.memory_space<vmem>>
      %dma_start3A_635 = arith.constant 0 : i32
      %dma_start3A_636 = arith.constant 0 : i32
      %dma_start3A_637 = tpu.memref_slice %arg2[%dma_start3A_635, %dma_start3A_636] : memref<5001x512xf32, #tpu.memory_space<hbm>> -> memref<5001x512xf32, #tpu.memory_space<hbm>>
      tpu.enqueue_indirect_dma source(%dma_start3A_637 : memref<5001x512xf32, #tpu.memory_space<hbm>>) target(%dma_start3A_633 : memref<40x512xf32, #tpu.memory_space<vmem>>) offsets(%dma_start3A_634 : memref<40xi32, #tpu.memory_space<vmem>>) semaphore(%arg7 : memref<!tpu.dma_semaphore, #tpu.memory_space<semaphore_mem>>)
      %dma_wait3A_638 = arith.constant 3 : i32
      %dma_wait3A_639 = arith.constant 0 : i32
      %dma_wait3A_640 = arith.constant 0 : i32
      %dma_wait3A_641 = tpu.memref_slice %arg6[%dma_wait3A_638, %dma_wait3A_639, %dma_wait3A_640] : memref<4x40x512xf32, #tpu.memory_space<vmem>> -> memref<1x40x512xf32, #tpu.memory_space<vmem>>
      %dma_wait3A_642 = tpu.memref_squeeze %dma_wait3A_641 : memref<1x40x512xf32, #tpu.memory_space<vmem>> -> memref<40x512xf32, #tpu.memory_space<vmem>>
      %dma_wait3A_643 = arith.constant 0 : i32
      %dma_wait3A_644 = arith.constant 0 : i32
      %dma_wait3A_645 = tpu.memref_slice %arg4[%dma_wait3A_643, %dma_wait3A_644] : memref<204800x512xf32, #tpu.memory_space<hbm>> -> memref<40x512xf32, #tpu.memory_space<hbm>>
      %dma_wait3A_646 = arith.constant 0 : i32
      %dma_wait3A_647 = arith.constant 0 : i32
      %dma_wait3A_648 = tpu.memref_slice %arg6[%dma_wait3A_638, %dma_wait3A_646, %dma_wait3A_647] : memref<4x40x512xf32, #tpu.memory_space<vmem>> -> memref<1x40x512xf32, #tpu.memory_space<vmem>>
      %dma_wait3A_649 = tpu.memref_squeeze %dma_wait3A_648 : memref<1x40x512xf32, #tpu.memory_space<vmem>> -> memref<40x512xf32, #tpu.memory_space<vmem>>
      %dma_wait3A_650 = arith.constant 0 : i32
      %dma_wait3A_651 = arith.constant 0 : i32
      %dma_wait3A_652 = tpu.memref_slice %arg4[%dma_wait3A_650, %dma_wait3A_651] : memref<204800x512xf32, #tpu.memory_space<hbm>> -> memref<40x512xf32, #tpu.memory_space<hbm>>
      tpu.wait_dma2 semaphore(%arg7 : memref<!tpu.dma_semaphore, #tpu.memory_space<semaphore_mem>>) src(%dma_wait3A_652 : memref<40x512xf32, #tpu.memory_space<hbm>>) dst(%dma_wait3A_649 : memref<40x512xf32, #tpu.memory_space<vmem>>)
      %add3A_653 = arith.constant 3 : i32
      %add3A_654 = arith.addi %mul3A_448, %add3A_653 : i32
      %mul3A_655 = arith.constant 40 : i32
      %mul3A_656 = arith.muli %add3A_654, %mul3A_655 : i32
      %add3A_657 = arith.addi %mul3A_2, %mul3A_656 : i32
      %dma_start3A_658 = arith.constant 3 : i32
      %dma_start3A_659 = arith.constant 0 : i32
      %dma_start3A_660 = arith.constant 0 : i32
      %dma_start3A_661 = tpu.memref_slice %arg6[%dma_start3A_658, %dma_start3A_659, %dma_start3A_660] : memref<4x40x512xf32, #tpu.memory_space<vmem>> -> memref<1x40x512xf32, #tpu.memory_space<vmem>>
      %dma_start3A_662 = tpu.memref_squeeze %dma_start3A_661 : memref<1x40x512xf32, #tpu.memory_space<vmem>> -> memref<40x512xf32, #tpu.memory_space<vmem>>
      %dma_start3A_663 = arith.constant 0 : i32
      %dma_start3A_664 = tpu.memref_slice %arg4[%add3A_657, %dma_start3A_663] : memref<204800x512xf32, #tpu.memory_space<hbm>> -> memref<40x512xf32, #tpu.memory_space<hbm>>
      %dma_start3A_665 = arith.constant 0 : i32
      %dma_start3A_666 = tpu.memref_slice %arg4[%add3A_657, %dma_start3A_665] : memref<204800x512xf32, #tpu.memory_space<hbm>> -> memref<40x512xf32, #tpu.memory_space<hbm>>
      %dma_start3A_667 = arith.constant 0 : i32
      %dma_start3A_668 = arith.constant 0 : i32
      %dma_start3A_669 = tpu.memref_slice %arg6[%dma_start3A_658, %dma_start3A_667, %dma_start3A_668] : memref<4x40x512xf32, #tpu.memory_space<vmem>> -> memref<1x40x512xf32, #tpu.memory_space<vmem>>
      %dma_start3A_670 = tpu.memref_squeeze %dma_start3A_669 : memref<1x40x512xf32, #tpu.memory_space<vmem>> -> memref<40x512xf32, #tpu.memory_space<vmem>>
      tpu.enqueue_dma source(%dma_start3A_670 : memref<40x512xf32, #tpu.memory_space<vmem>>) target(%dma_start3A_666 : memref<40x512xf32, #tpu.memory_space<hbm>>) target_semaphore(%arg8 : memref<!tpu.dma_semaphore, #tpu.memory_space<semaphore_mem>>)
      %dma_wait3A_671 = arith.constant 1 : i32
      %dma_wait3A_672 = arith.constant 0 : i32
      %dma_wait3A_673 = arith.constant 0 : i32
      %dma_wait3A_674 = tpu.memref_slice %arg6[%dma_wait3A_671, %dma_wait3A_672, %dma_wait3A_673] : memref<4x40x512xf32, #tpu.memory_space<vmem>> -> memref<1x40x512xf32, #tpu.memory_space<vmem>>
      %dma_wait3A_675 = tpu.memref_squeeze %dma_wait3A_674 : memref<1x40x512xf32, #tpu.memory_space<vmem>> -> memref<40x512xf32, #tpu.memory_space<vmem>>
      %dma_wait3A_676 = arith.constant 0 : i32
      %dma_wait3A_677 = arith.constant 0 : i32
      %dma_wait3A_678 = tpu.memref_slice %arg4[%dma_wait3A_676, %dma_wait3A_677] : memref<204800x512xf32, #tpu.memory_space<hbm>> -> memref<40x512xf32, #tpu.memory_space<hbm>>
      %dma_wait3A_679 = arith.constant 0 : i32
      %dma_wait3A_680 = arith.constant 0 : i32
      %dma_wait3A_681 = tpu.memref_slice %arg4[%dma_wait3A_679, %dma_wait3A_680] : memref<204800x512xf32, #tpu.memory_space<hbm>> -> memref<40x512xf32, #tpu.memory_space<hbm>>
      %dma_wait3A_682 = arith.constant 0 : i32
      %dma_wait3A_683 = arith.constant 0 : i32
      %dma_wait3A_684 = tpu.memref_slice %arg6[%dma_wait3A_671, %dma_wait3A_682, %dma_wait3A_683] : memref<4x40x512xf32, #tpu.memory_space<vmem>> -> memref<1x40x512xf32, #tpu.memory_space<vmem>>
      %dma_wait3A_685 = tpu.memref_squeeze %dma_wait3A_684 : memref<1x40x512xf32, #tpu.memory_space<vmem>> -> memref<40x512xf32, #tpu.memory_space<vmem>>
      tpu.wait_dma2 semaphore(%arg8 : memref<!tpu.dma_semaphore, #tpu.memory_space<semaphore_mem>>) src(%dma_wait3A_685 : memref<40x512xf32, #tpu.memory_space<vmem>>) dst(%dma_wait3A_681 : memref<40x512xf32, #tpu.memory_space<hbm>>)
      %add3A_686 = arith.constant 3 : i32
      %add3A_687 = arith.addi %mul3A_448, %add3A_686 : i32
      %add3A_688 = arith.constant 2 : i32
      %add3A_689 = arith.addi %add3A_687, %add3A_688 : i32
      %mul3A_690 = arith.constant 40 : i32
      %mul3A_691 = arith.muli %add3A_689, %mul3A_690 : i32
      %dma_start3A_692 = arith.constant 1 : i32
      %dma_start3A_693 = arith.constant 0 : i32
      %dma_start3A_694 = arith.constant 0 : i32
      %dma_start3A_695 = tpu.memref_slice %arg6[%dma_start3A_692, %dma_start3A_693, %dma_start3A_694] : memref<4x40x512xf32, #tpu.memory_space<vmem>> -> memref<1x40x512xf32, #tpu.memory_space<vmem>>
      %dma_start3A_696 = tpu.memref_squeeze %dma_start3A_695 : memref<1x40x512xf32, #tpu.memory_space<vmem>> -> memref<40x512xf32, #tpu.memory_space<vmem>>
      %dma_start3A_697 = tpu.memref_slice %arg5[%mul3A_691] : memref<6400xi32, #tpu.memory_space<vmem>> -> memref<40xi32, #tpu.memory_space<vmem>>
      %dma_start3A_698 = arith.constant 0 : i32
      %dma_start3A_699 = arith.constant 0 : i32
      %dma_start3A_700 = tpu.memref_slice %arg2[%dma_start3A_698, %dma_start3A_699] : memref<5001x512xf32, #tpu.memory_space<hbm>> -> memref<5001x512xf32, #tpu.memory_space<hbm>>
      tpu.enqueue_indirect_dma source(%dma_start3A_700 : memref<5001x512xf32, #tpu.memory_space<hbm>>) target(%dma_start3A_696 : memref<40x512xf32, #tpu.memory_space<vmem>>) offsets(%dma_start3A_697 : memref<40xi32, #tpu.memory_space<vmem>>) semaphore(%arg7 : memref<!tpu.dma_semaphore, #tpu.memory_space<semaphore_mem>>)
    }
    %scan3A_215 = arith.constant 38 : i32
    %dma_wait3A_216 = arith.constant 0 : i32
    %dma_wait3A_217 = arith.constant 0 : i32
    %dma_wait3A_218 = arith.constant 0 : i32
    %dma_wait3A_219 = tpu.memref_slice %arg6[%dma_wait3A_216, %dma_wait3A_217, %dma_wait3A_218] : memref<4x40x512xf32, #tpu.memory_space<vmem>> -> memref<1x40x512xf32, #tpu.memory_space<vmem>>
    %dma_wait3A_220 = tpu.memref_squeeze %dma_wait3A_219 : memref<1x40x512xf32, #tpu.memory_space<vmem>> -> memref<40x512xf32, #tpu.memory_space<vmem>>
    %dma_wait3A_221 = arith.constant 0 : i32
    %dma_wait3A_222 = arith.constant 0 : i32
    %dma_wait3A_223 = tpu.memref_slice %arg4[%dma_wait3A_221, %dma_wait3A_222] : memref<204800x512xf32, #tpu.memory_space<hbm>> -> memref<40x512xf32, #tpu.memory_space<hbm>>
    %dma_wait3A_224 = arith.constant 0 : i32
    %dma_wait3A_225 = arith.constant 0 : i32
    %dma_wait3A_226 = tpu.memref_slice %arg6[%dma_wait3A_216, %dma_wait3A_224, %dma_wait3A_225] : memref<4x40x512xf32, #tpu.memory_space<vmem>> -> memref<1x40x512xf32, #tpu.memory_space<vmem>>
    %dma_wait3A_227 = tpu.memref_squeeze %dma_wait3A_226 : memref<1x40x512xf32, #tpu.memory_space<vmem>> -> memref<40x512xf32, #tpu.memory_space<vmem>>
    %dma_wait3A_228 = arith.constant 0 : i32
    %dma_wait3A_229 = arith.constant 0 : i32
    %dma_wait3A_230 = tpu.memref_slice %arg4[%dma_wait3A_228, %dma_wait3A_229] : memref<204800x512xf32, #tpu.memory_space<hbm>> -> memref<40x512xf32, #tpu.memory_space<hbm>>
    tpu.wait_dma2 semaphore(%arg7 : memref<!tpu.dma_semaphore, #tpu.memory_space<semaphore_mem>>) src(%dma_wait3A_230 : memref<40x512xf32, #tpu.memory_space<hbm>>) dst(%dma_wait3A_227 : memref<40x512xf32, #tpu.memory_space<vmem>>)
    %add3A_231 = arith.constant 6240 : i32
    %add3A_232 = arith.addi %mul3A_2, %add3A_231 : i32
    %dma_start3A_233 = arith.constant 0 : i32
    %dma_start3A_234 = arith.constant 0 : i32
    %dma_start3A_235 = arith.constant 0 : i32
    %dma_start3A_236 = tpu.memref_slice %arg6[%dma_start3A_233, %dma_start3A_234, %dma_start3A_235] : memref<4x40x512xf32, #tpu.memory_space<vmem>> -> memref<1x40x512xf32, #tpu.memory_space<vmem>>
    %dma_start3A_237 = tpu.memref_squeeze %dma_start3A_236 : memref<1x40x512xf32, #tpu.memory_space<vmem>> -> memref<40x512xf32, #tpu.memory_space<vmem>>
    %dma_start3A_238 = arith.constant 0 : i32
    %dma_start3A_239 = tpu.memref_slice %arg4[%add3A_232, %dma_start3A_238] : memref<204800x512xf32, #tpu.memory_space<hbm>> -> memref<40x512xf32, #tpu.memory_space<hbm>>
    %dma_start3A_240 = arith.constant 0 : i32
    %dma_start3A_241 = tpu.memref_slice %arg4[%add3A_232, %dma_start3A_240] : memref<204800x512xf32, #tpu.memory_space<hbm>> -> memref<40x512xf32, #tpu.memory_space<hbm>>
    %dma_start3A_242 = arith.constant 0 : i32
    %dma_start3A_243 = arith.constant 0 : i32
    %dma_start3A_244 = tpu.memref_slice %arg6[%dma_start3A_233, %dma_start3A_242, %dma_start3A_243] : memref<4x40x512xf32, #tpu.memory_space<vmem>> -> memref<1x40x512xf32, #tpu.memory_space<vmem>>
    %dma_start3A_245 = tpu.memref_squeeze %dma_start3A_244 : memref<1x40x512xf32, #tpu.memory_space<vmem>> -> memref<40x512xf32, #tpu.memory_space<vmem>>
    tpu.enqueue_dma source(%dma_start3A_245 : memref<40x512xf32, #tpu.memory_space<vmem>>) target(%dma_start3A_241 : memref<40x512xf32, #tpu.memory_space<hbm>>) target_semaphore(%arg8 : memref<!tpu.dma_semaphore, #tpu.memory_space<semaphore_mem>>)
    %dma_wait3A_246 = arith.constant 2 : i32
    %dma_wait3A_247 = arith.constant 0 : i32
    %dma_wait3A_248 = arith.constant 0 : i32
    %dma_wait3A_249 = tpu.memref_slice %arg6[%dma_wait3A_246, %dma_wait3A_247, %dma_wait3A_248] : memref<4x40x512xf32, #tpu.memory_space<vmem>> -> memref<1x40x512xf32, #tpu.memory_space<vmem>>
    %dma_wait3A_250 = tpu.memref_squeeze %dma_wait3A_249 : memref<1x40x512xf32, #tpu.memory_space<vmem>> -> memref<40x512xf32, #tpu.memory_space<vmem>>
    %dma_wait3A_251 = arith.constant 0 : i32
    %dma_wait3A_252 = arith.constant 0 : i32
    %dma_wait3A_253 = tpu.memref_slice %arg4[%dma_wait3A_251, %dma_wait3A_252] : memref<204800x512xf32, #tpu.memory_space<hbm>> -> memref<40x512xf32, #tpu.memory_space<hbm>>
    %dma_wait3A_254 = arith.constant 0 : i32
    %dma_wait3A_255 = arith.constant 0 : i32
    %dma_wait3A_256 = tpu.memref_slice %arg4[%dma_wait3A_254, %dma_wait3A_255] : memref<204800x512xf32, #tpu.memory_space<hbm>> -> memref<40x512xf32, #tpu.memory_space<hbm>>
    %dma_wait3A_257 = arith.constant 0 : i32
    %dma_wait3A_258 = arith.constant 0 : i32
    %dma_wait3A_259 = tpu.memref_slice %arg6[%dma_wait3A_246, %dma_wait3A_257, %dma_wait3A_258] : memref<4x40x512xf32, #tpu.memory_space<vmem>> -> memref<1x40x512xf32, #tpu.memory_space<vmem>>
    %dma_wait3A_260 = tpu.memref_squeeze %dma_wait3A_259 : memref<1x40x512xf32, #tpu.memory_space<vmem>> -> memref<40x512xf32, #tpu.memory_space<vmem>>
    tpu.wait_dma2 semaphore(%arg8 : memref<!tpu.dma_semaphore, #tpu.memory_space<semaphore_mem>>) src(%dma_wait3A_260 : memref<40x512xf32, #tpu.memory_space<vmem>>) dst(%dma_wait3A_256 : memref<40x512xf32, #tpu.memory_space<hbm>>)
    %dma_start3A_261 = arith.constant 2 : i32
    %dma_start3A_262 = arith.constant 0 : i32
    %dma_start3A_263 = arith.constant 0 : i32
    %dma_start3A_264 = tpu.memref_slice %arg6[%dma_start3A_261, %dma_start3A_262, %dma_start3A_263] : memref<4x40x512xf32, #tpu.memory_space<vmem>> -> memref<1x40x512xf32, #tpu.memory_space<vmem>>
    %dma_start3A_265 = tpu.memref_squeeze %dma_start3A_264 : memref<1x40x512xf32, #tpu.memory_space<vmem>> -> memref<40x512xf32, #tpu.memory_space<vmem>>
    %dma_start3A_266 = arith.constant 6320 : i32
    %dma_start3A_267 = tpu.memref_slice %arg5[%dma_start3A_266] : memref<6400xi32, #tpu.memory_space<vmem>> -> memref<40xi32, #tpu.memory_space<vmem>>
    %dma_start3A_268 = arith.constant 0 : i32
    %dma_start3A_269 = arith.constant 0 : i32
    %dma_start3A_270 = tpu.memref_slice %arg2[%dma_start3A_268, %dma_start3A_269] : memref<5001x512xf32, #tpu.memory_space<hbm>> -> memref<5001x512xf32, #tpu.memory_space<hbm>>
    tpu.enqueue_indirect_dma source(%dma_start3A_270 : memref<5001x512xf32, #tpu.memory_space<hbm>>) target(%dma_start3A_265 : memref<40x512xf32, #tpu.memory_space<vmem>>) offsets(%dma_start3A_267 : memref<40xi32, #tpu.memory_space<vmem>>) semaphore(%arg7 : memref<!tpu.dma_semaphore, #tpu.memory_space<semaphore_mem>>)
    %dma_wait3A_271 = arith.constant 1 : i32
    %dma_wait3A_272 = arith.constant 0 : i32
    %dma_wait3A_273 = arith.constant 0 : i32
    %dma_wait3A_274 = tpu.memref_slice %arg6[%dma_wait3A_271, %dma_wait3A_272, %dma_wait3A_273] : memref<4x40x512xf32, #tpu.memory_space<vmem>> -> memref<1x40x512xf32, #tpu.memory_space<vmem>>
    %dma_wait3A_275 = tpu.memref_squeeze %dma_wait3A_274 : memref<1x40x512xf32, #tpu.memory_space<vmem>> -> memref<40x512xf32, #tpu.memory_space<vmem>>
    %dma_wait3A_276 = arith.constant 0 : i32
    %dma_wait3A_277 = arith.constant 0 : i32
    %dma_wait3A_278 = tpu.memref_slice %arg4[%dma_wait3A_276, %dma_wait3A_277] : memref<204800x512xf32, #tpu.memory_space<hbm>> -> memref<40x512xf32, #tpu.memory_space<hbm>>
    %dma_wait3A_279 = arith.constant 0 : i32
    %dma_wait3A_280 = arith.constant 0 : i32
    %dma_wait3A_281 = tpu.memref_slice %arg6[%dma_wait3A_271, %dma_wait3A_279, %dma_wait3A_280] : memref<4x40x512xf32, #tpu.memory_space<vmem>> -> memref<1x40x512xf32, #tpu.memory_space<vmem>>
    %dma_wait3A_282 = tpu.memref_squeeze %dma_wait3A_281 : memref<1x40x512xf32, #tpu.memory_space<vmem>> -> memref<40x512xf32, #tpu.memory_space<vmem>>
    %dma_wait3A_283 = arith.constant 0 : i32
    %dma_wait3A_284 = arith.constant 0 : i32
    %dma_wait3A_285 = tpu.memref_slice %arg4[%dma_wait3A_283, %dma_wait3A_284] : memref<204800x512xf32, #tpu.memory_space<hbm>> -> memref<40x512xf32, #tpu.memory_space<hbm>>
    tpu.wait_dma2 semaphore(%arg7 : memref<!tpu.dma_semaphore, #tpu.memory_space<semaphore_mem>>) src(%dma_wait3A_285 : memref<40x512xf32, #tpu.memory_space<hbm>>) dst(%dma_wait3A_282 : memref<40x512xf32, #tpu.memory_space<vmem>>)
    %add3A_286 = arith.constant 6280 : i32
    %add3A_287 = arith.addi %mul3A_2, %add3A_286 : i32
    %dma_start3A_288 = arith.constant 1 : i32
    %dma_start3A_289 = arith.constant 0 : i32
    %dma_start3A_290 = arith.constant 0 : i32
    %dma_start3A_291 = tpu.memref_slice %arg6[%dma_start3A_288, %dma_start3A_289, %dma_start3A_290] : memref<4x40x512xf32, #tpu.memory_space<vmem>> -> memref<1x40x512xf32, #tpu.memory_space<vmem>>
    %dma_start3A_292 = tpu.memref_squeeze %dma_start3A_291 : memref<1x40x512xf32, #tpu.memory_space<vmem>> -> memref<40x512xf32, #tpu.memory_space<vmem>>
    %dma_start3A_293 = arith.constant 0 : i32
    %dma_start3A_294 = tpu.memref_slice %arg4[%add3A_287, %dma_start3A_293] : memref<204800x512xf32, #tpu.memory_space<hbm>> -> memref<40x512xf32, #tpu.memory_space<hbm>>
    %dma_start3A_295 = arith.constant 0 : i32
    %dma_start3A_296 = tpu.memref_slice %arg4[%add3A_287, %dma_start3A_295] : memref<204800x512xf32, #tpu.memory_space<hbm>> -> memref<40x512xf32, #tpu.memory_space<hbm>>
    %dma_start3A_297 = arith.constant 0 : i32
    %dma_start3A_298 = arith.constant 0 : i32
    %dma_start3A_299 = tpu.memref_slice %arg6[%dma_start3A_288, %dma_start3A_297, %dma_start3A_298] : memref<4x40x512xf32, #tpu.memory_space<vmem>> -> memref<1x40x512xf32, #tpu.memory_space<vmem>>
    %dma_start3A_300 = tpu.memref_squeeze %dma_start3A_299 : memref<1x40x512xf32, #tpu.memory_space<vmem>> -> memref<40x512xf32, #tpu.memory_space<vmem>>
    tpu.enqueue_dma source(%dma_start3A_300 : memref<40x512xf32, #tpu.memory_space<vmem>>) target(%dma_start3A_296 : memref<40x512xf32, #tpu.memory_space<hbm>>) target_semaphore(%arg8 : memref<!tpu.dma_semaphore, #tpu.memory_space<semaphore_mem>>)
    %dma_wait3A_301 = arith.constant 3 : i32
    %dma_wait3A_302 = arith.constant 0 : i32
    %dma_wait3A_303 = arith.constant 0 : i32
    %dma_wait3A_304 = tpu.memref_slice %arg6[%dma_wait3A_301, %dma_wait3A_302, %dma_wait3A_303] : memref<4x40x512xf32, #tpu.memory_space<vmem>> -> memref<1x40x512xf32, #tpu.memory_space<vmem>>
    %dma_wait3A_305 = tpu.memref_squeeze %dma_wait3A_304 : memref<1x40x512xf32, #tpu.memory_space<vmem>> -> memref<40x512xf32, #tpu.memory_space<vmem>>
    %dma_wait3A_306 = arith.constant 0 : i32
    %dma_wait3A_307 = arith.constant 0 : i32
    %dma_wait3A_308 = tpu.memref_slice %arg4[%dma_wait3A_306, %dma_wait3A_307] : memref<204800x512xf32, #tpu.memory_space<hbm>> -> memref<40x512xf32, #tpu.memory_space<hbm>>
    %dma_wait3A_309 = arith.constant 0 : i32
    %dma_wait3A_310 = arith.constant 0 : i32
    %dma_wait3A_311 = tpu.memref_slice %arg4[%dma_wait3A_309, %dma_wait3A_310] : memref<204800x512xf32, #tpu.memory_space<hbm>> -> memref<40x512xf32, #tpu.memory_space<hbm>>
    %dma_wait3A_312 = arith.constant 0 : i32
    %dma_wait3A_313 = arith.constant 0 : i32
    %dma_wait3A_314 = tpu.memref_slice %arg6[%dma_wait3A_301, %dma_wait3A_312, %dma_wait3A_313] : memref<4x40x512xf32, #tpu.memory_space<vmem>> -> memref<1x40x512xf32, #tpu.memory_space<vmem>>
    %dma_wait3A_315 = tpu.memref_squeeze %dma_wait3A_314 : memref<1x40x512xf32, #tpu.memory_space<vmem>> -> memref<40x512xf32, #tpu.memory_space<vmem>>
    tpu.wait_dma2 semaphore(%arg8 : memref<!tpu.dma_semaphore, #tpu.memory_space<semaphore_mem>>) src(%dma_wait3A_315 : memref<40x512xf32, #tpu.memory_space<vmem>>) dst(%dma_wait3A_311 : memref<40x512xf32, #tpu.memory_space<hbm>>)
    %dma_start3A_316 = arith.constant 3 : i32
    %dma_start3A_317 = arith.constant 0 : i32
    %dma_start3A_318 = arith.constant 0 : i32
    %dma_start3A_319 = tpu.memref_slice %arg6[%dma_start3A_316, %dma_start3A_317, %dma_start3A_318] : memref<4x40x512xf32, #tpu.memory_space<vmem>> -> memref<1x40x512xf32, #tpu.memory_space<vmem>>
    %dma_start3A_320 = tpu.memref_squeeze %dma_start3A_319 : memref<1x40x512xf32, #tpu.memory_space<vmem>> -> memref<40x512xf32, #tpu.memory_space<vmem>>
    %dma_start3A_321 = arith.constant 6360 : i32
    %dma_start3A_322 = tpu.memref_slice %arg5[%dma_start3A_321] : memref<6400xi32, #tpu.memory_space<vmem>> -> memref<40xi32, #tpu.memory_space<vmem>>
    %dma_start3A_323 = arith.constant 0 : i32
    %dma_start3A_324 = arith.constant 0 : i32
    %dma_start3A_325 = tpu.memref_slice %arg2[%dma_start3A_323, %dma_start3A_324] : memref<5001x512xf32, #tpu.memory_space<hbm>> -> memref<5001x512xf32, #tpu.memory_space<hbm>>
    tpu.enqueue_indirect_dma source(%dma_start3A_325 : memref<5001x512xf32, #tpu.memory_space<hbm>>) target(%dma_start3A_320 : memref<40x512xf32, #tpu.memory_space<vmem>>) offsets(%dma_start3A_322 : memref<40xi32, #tpu.memory_space<vmem>>) semaphore(%arg7 : memref<!tpu.dma_semaphore, #tpu.memory_space<semaphore_mem>>)
    %dma_wait3A_326 = arith.constant 2 : i32
    %dma_wait3A_327 = arith.constant 0 : i32
    %dma_wait3A_328 = arith.constant 0 : i32
    %dma_wait3A_329 = tpu.memref_slice %arg6[%dma_wait3A_326, %dma_wait3A_327, %dma_wait3A_328] : memref<4x40x512xf32, #tpu.memory_space<vmem>> -> memref<1x40x512xf32, #tpu.memory_space<vmem>>
    %dma_wait3A_330 = tpu.memref_squeeze %dma_wait3A_329 : memref<1x40x512xf32, #tpu.memory_space<vmem>> -> memref<40x512xf32, #tpu.memory_space<vmem>>
    %dma_wait3A_331 = arith.constant 0 : i32
    %dma_wait3A_332 = arith.constant 0 : i32
    %dma_wait3A_333 = tpu.memref_slice %arg4[%dma_wait3A_331, %dma_wait3A_332] : memref<204800x512xf32, #tpu.memory_space<hbm>> -> memref<40x512xf32, #tpu.memory_space<hbm>>
    %dma_wait3A_334 = arith.constant 0 : i32
    %dma_wait3A_335 = arith.constant 0 : i32
    %dma_wait3A_336 = tpu.memref_slice %arg6[%dma_wait3A_326, %dma_wait3A_334, %dma_wait3A_335] : memref<4x40x512xf32, #tpu.memory_space<vmem>> -> memref<1x40x512xf32, #tpu.memory_space<vmem>>
    %dma_wait3A_337 = tpu.memref_squeeze %dma_wait3A_336 : memref<1x40x512xf32, #tpu.memory_space<vmem>> -> memref<40x512xf32, #tpu.memory_space<vmem>>
    %dma_wait3A_338 = arith.constant 0 : i32
    %dma_wait3A_339 = arith.constant 0 : i32
    %dma_wait3A_340 = tpu.memref_slice %arg4[%dma_wait3A_338, %dma_wait3A_339] : memref<204800x512xf32, #tpu.memory_space<hbm>> -> memref<40x512xf32, #tpu.memory_space<hbm>>
    tpu.wait_dma2 semaphore(%arg7 : memref<!tpu.dma_semaphore, #tpu.memory_space<semaphore_mem>>) src(%dma_wait3A_340 : memref<40x512xf32, #tpu.memory_space<hbm>>) dst(%dma_wait3A_337 : memref<40x512xf32, #tpu.memory_space<vmem>>)
    %add3A_341 = arith.constant 6320 : i32
    %add3A_342 = arith.addi %mul3A_2, %add3A_341 : i32
    %dma_start3A_343 = arith.constant 2 : i32
    %dma_start3A_344 = arith.constant 0 : i32
    %dma_start3A_345 = arith.constant 0 : i32
    %dma_start3A_346 = tpu.memref_slice %arg6[%dma_start3A_343, %dma_start3A_344, %dma_start3A_345] : memref<4x40x512xf32, #tpu.memory_space<vmem>> -> memref<1x40x512xf32, #tpu.memory_space<vmem>>
    %dma_start3A_347 = tpu.memref_squeeze %dma_start3A_346 : memref<1x40x512xf32, #tpu.memory_space<vmem>> -> memref<40x512xf32, #tpu.memory_space<vmem>>
    %dma_start3A_348 = arith.constant 0 : i32
    %dma_start3A_349 = tpu.memref_slice %arg4[%add3A_342, %dma_start3A_348] : memref<204800x512xf32, #tpu.memory_space<hbm>> -> memref<40x512xf32, #tpu.memory_space<hbm>>
    %dma_start3A_350 = arith.constant 0 : i32
    %dma_start3A_351 = tpu.memref_slice %arg4[%add3A_342, %dma_start3A_350] : memref<204800x512xf32, #tpu.memory_space<hbm>> -> memref<40x512xf32, #tpu.memory_space<hbm>>
    %dma_start3A_352 = arith.constant 0 : i32
    %dma_start3A_353 = arith.constant 0 : i32
    %dma_start3A_354 = tpu.memref_slice %arg6[%dma_start3A_343, %dma_start3A_352, %dma_start3A_353] : memref<4x40x512xf32, #tpu.memory_space<vmem>> -> memref<1x40x512xf32, #tpu.memory_space<vmem>>
    %dma_start3A_355 = tpu.memref_squeeze %dma_start3A_354 : memref<1x40x512xf32, #tpu.memory_space<vmem>> -> memref<40x512xf32, #tpu.memory_space<vmem>>
    tpu.enqueue_dma source(%dma_start3A_355 : memref<40x512xf32, #tpu.memory_space<vmem>>) target(%dma_start3A_351 : memref<40x512xf32, #tpu.memory_space<hbm>>) target_semaphore(%arg8 : memref<!tpu.dma_semaphore, #tpu.memory_space<semaphore_mem>>)
    %dma_wait3A_356 = arith.constant 3 : i32
    %dma_wait3A_357 = arith.constant 0 : i32
    %dma_wait3A_358 = arith.constant 0 : i32
    %dma_wait3A_359 = tpu.memref_slice %arg6[%dma_wait3A_356, %dma_wait3A_357, %dma_wait3A_358] : memref<4x40x512xf32, #tpu.memory_space<vmem>> -> memref<1x40x512xf32, #tpu.memory_space<vmem>>
    %dma_wait3A_360 = tpu.memref_squeeze %dma_wait3A_359 : memref<1x40x512xf32, #tpu.memory_space<vmem>> -> memref<40x512xf32, #tpu.memory_space<vmem>>
    %dma_wait3A_361 = arith.constant 0 : i32
    %dma_wait3A_362 = arith.constant 0 : i32
    %dma_wait3A_363 = tpu.memref_slice %arg4[%dma_wait3A_361, %dma_wait3A_362] : memref<204800x512xf32, #tpu.memory_space<hbm>> -> memref<40x512xf32, #tpu.memory_space<hbm>>
    %dma_wait3A_364 = arith.constant 0 : i32
    %dma_wait3A_365 = arith.constant 0 : i32
    %dma_wait3A_366 = tpu.memref_slice %arg6[%dma_wait3A_356, %dma_wait3A_364, %dma_wait3A_365] : memref<4x40x512xf32, #tpu.memory_space<vmem>> -> memref<1x40x512xf32, #tpu.memory_space<vmem>>
    %dma_wait3A_367 = tpu.memref_squeeze %dma_wait3A_366 : memref<1x40x512xf32, #tpu.memory_space<vmem>> -> memref<40x512xf32, #tpu.memory_space<vmem>>
    %dma_wait3A_368 = arith.constant 0 : i32
    %dma_wait3A_369 = arith.constant 0 : i32
    %dma_wait3A_370 = tpu.memref_slice %arg4[%dma_wait3A_368, %dma_wait3A_369] : memref<204800x512xf32, #tpu.memory_space<hbm>> -> memref<40x512xf32, #tpu.memory_space<hbm>>
    tpu.wait_dma2 semaphore(%arg7 : memref<!tpu.dma_semaphore, #tpu.memory_space<semaphore_mem>>) src(%dma_wait3A_370 : memref<40x512xf32, #tpu.memory_space<hbm>>) dst(%dma_wait3A_367 : memref<40x512xf32, #tpu.memory_space<vmem>>)
    %add3A_371 = arith.constant 6360 : i32
    %add3A_372 = arith.addi %mul3A_2, %add3A_371 : i32
    %dma_start3A_373 = arith.constant 3 : i32
    %dma_start3A_374 = arith.constant 0 : i32
    %dma_start3A_375 = arith.constant 0 : i32
    %dma_start3A_376 = tpu.memref_slice %arg6[%dma_start3A_373, %dma_start3A_374, %dma_start3A_375] : memref<4x40x512xf32, #tpu.memory_space<vmem>> -> memref<1x40x512xf32, #tpu.memory_space<vmem>>
    %dma_start3A_377 = tpu.memref_squeeze %dma_start3A_376 : memref<1x40x512xf32, #tpu.memory_space<vmem>> -> memref<40x512xf32, #tpu.memory_space<vmem>>
    %dma_start3A_378 = arith.constant 0 : i32
    %dma_start3A_379 = tpu.memref_slice %arg4[%add3A_372, %dma_start3A_378] : memref<204800x512xf32, #tpu.memory_space<hbm>> -> memref<40x512xf32, #tpu.memory_space<hbm>>
    %dma_start3A_380 = arith.constant 0 : i32
    %dma_start3A_381 = tpu.memref_slice %arg4[%add3A_372, %dma_start3A_380] : memref<204800x512xf32, #tpu.memory_space<hbm>> -> memref<40x512xf32, #tpu.memory_space<hbm>>
    %dma_start3A_382 = arith.constant 0 : i32
    %dma_start3A_383 = arith.constant 0 : i32
    %dma_start3A_384 = tpu.memref_slice %arg6[%dma_start3A_373, %dma_start3A_382, %dma_start3A_383] : memref<4x40x512xf32, #tpu.memory_space<vmem>> -> memref<1x40x512xf32, #tpu.memory_space<vmem>>
    %dma_start3A_385 = tpu.memref_squeeze %dma_start3A_384 : memref<1x40x512xf32, #tpu.memory_space<vmem>> -> memref<40x512xf32, #tpu.memory_space<vmem>>
    tpu.enqueue_dma source(%dma_start3A_385 : memref<40x512xf32, #tpu.memory_space<vmem>>) target(%dma_start3A_381 : memref<40x512xf32, #tpu.memory_space<hbm>>) target_semaphore(%arg8 : memref<!tpu.dma_semaphore, #tpu.memory_space<semaphore_mem>>)
    %dma_wait3A_386 = arith.constant 0 : i32
    %dma_wait3A_387 = arith.constant 0 : i32
    %dma_wait3A_388 = arith.constant 0 : i32
    %dma_wait3A_389 = tpu.memref_slice %arg6[%dma_wait3A_386, %dma_wait3A_387, %dma_wait3A_388] : memref<4x40x512xf32, #tpu.memory_space<vmem>> -> memref<1x40x512xf32, #tpu.memory_space<vmem>>
    %dma_wait3A_390 = tpu.memref_squeeze %dma_wait3A_389 : memref<1x40x512xf32, #tpu.memory_space<vmem>> -> memref<40x512xf32, #tpu.memory_space<vmem>>
    %dma_wait3A_391 = arith.constant 0 : i32
    %dma_wait3A_392 = arith.constant 0 : i32
    %dma_wait3A_393 = tpu.memref_slice %arg4[%dma_wait3A_391, %dma_wait3A_392] : memref<204800x512xf32, #tpu.memory_space<hbm>> -> memref<40x512xf32, #tpu.memory_space<hbm>>
    %dma_wait3A_394 = arith.constant 0 : i32
    %dma_wait3A_395 = arith.constant 0 : i32
    %dma_wait3A_396 = tpu.memref_slice %arg4[%dma_wait3A_394, %dma_wait3A_395] : memref<204800x512xf32, #tpu.memory_space<hbm>> -> memref<40x512xf32, #tpu.memory_space<hbm>>
    %dma_wait3A_397 = arith.constant 0 : i32
    %dma_wait3A_398 = arith.constant 0 : i32
    %dma_wait3A_399 = tpu.memref_slice %arg6[%dma_wait3A_386, %dma_wait3A_397, %dma_wait3A_398] : memref<4x40x512xf32, #tpu.memory_space<vmem>> -> memref<1x40x512xf32, #tpu.memory_space<vmem>>
    %dma_wait3A_400 = tpu.memref_squeeze %dma_wait3A_399 : memref<1x40x512xf32, #tpu.memory_space<vmem>> -> memref<40x512xf32, #tpu.memory_space<vmem>>
    tpu.wait_dma2 semaphore(%arg8 : memref<!tpu.dma_semaphore, #tpu.memory_space<semaphore_mem>>) src(%dma_wait3A_400 : memref<40x512xf32, #tpu.memory_space<vmem>>) dst(%dma_wait3A_396 : memref<40x512xf32, #tpu.memory_space<hbm>>)
    %dma_wait3A_401 = arith.constant 1 : i32
    %dma_wait3A_402 = arith.constant 0 : i32
    %dma_wait3A_403 = arith.constant 0 : i32
    %dma_wait3A_404 = tpu.memref_slice %arg6[%dma_wait3A_401, %dma_wait3A_402, %dma_wait3A_403] : memref<4x40x512xf32, #tpu.memory_space<vmem>> -> memref<1x40x512xf32, #tpu.memory_space<vmem>>
    %dma_wait3A_405 = tpu.memref_squeeze %dma_wait3A_404 : memref<1x40x512xf32, #tpu.memory_space<vmem>> -> memref<40x512xf32, #tpu.memory_space<vmem>>
    %dma_wait3A_406 = arith.constant 0 : i32
    %dma_wait3A_407 = arith.constant 0 : i32
    %dma_wait3A_408 = tpu.memref_slice %arg4[%dma_wait3A_406, %dma_wait3A_407] : memref<204800x512xf32, #tpu.memory_space<hbm>> -> memref<40x512xf32, #tpu.memory_space<hbm>>
    %dma_wait3A_409 = arith.constant 0 : i32
    %dma_wait3A_410 = arith.constant 0 : i32
    %dma_wait3A_411 = tpu.memref_slice %arg4[%dma_wait3A_409, %dma_wait3A_410] : memref<204800x512xf32, #tpu.memory_space<hbm>> -> memref<40x512xf32, #tpu.memory_space<hbm>>
    %dma_wait3A_412 = arith.constant 0 : i32
    %dma_wait3A_413 = arith.constant 0 : i32
    %dma_wait3A_414 = tpu.memref_slice %arg6[%dma_wait3A_401, %dma_wait3A_412, %dma_wait3A_413] : memref<4x40x512xf32, #tpu.memory_space<vmem>> -> memref<1x40x512xf32, #tpu.memory_space<vmem>>
    %dma_wait3A_415 = tpu.memref_squeeze %dma_wait3A_414 : memref<1x40x512xf32, #tpu.memory_space<vmem>> -> memref<40x512xf32, #tpu.memory_space<vmem>>
    tpu.wait_dma2 semaphore(%arg8 : memref<!tpu.dma_semaphore, #tpu.memory_space<semaphore_mem>>) src(%dma_wait3A_415 : memref<40x512xf32, #tpu.memory_space<vmem>>) dst(%dma_wait3A_411 : memref<40x512xf32, #tpu.memory_space<hbm>>)
    %dma_wait3A_416 = arith.constant 2 : i32
    %dma_wait3A_417 = arith.constant 0 : i32
    %dma_wait3A_418 = arith.constant 0 : i32
    %dma_wait3A_419 = tpu.memref_slice %arg6[%dma_wait3A_416, %dma_wait3A_417, %dma_wait3A_418] : memref<4x40x512xf32, #tpu.memory_space<vmem>> -> memref<1x40x512xf32, #tpu.memory_space<vmem>>
    %dma_wait3A_420 = tpu.memref_squeeze %dma_wait3A_419 : memref<1x40x512xf32, #tpu.memory_space<vmem>> -> memref<40x512xf32, #tpu.memory_space<vmem>>
    %dma_wait3A_421 = arith.constant 0 : i32
    %dma_wait3A_422 = arith.constant 0 : i32
    %dma_wait3A_423 = tpu.memref_slice %arg4[%dma_wait3A_421, %dma_wait3A_422] : memref<204800x512xf32, #tpu.memory_space<hbm>> -> memref<40x512xf32, #tpu.memory_space<hbm>>
    %dma_wait3A_424 = arith.constant 0 : i32
    %dma_wait3A_425 = arith.constant 0 : i32
    %dma_wait3A_426 = tpu.memref_slice %arg4[%dma_wait3A_424, %dma_wait3A_425] : memref<204800x512xf32, #tpu.memory_space<hbm>> -> memref<40x512xf32, #tpu.memory_space<hbm>>
    %dma_wait3A_427 = arith.constant 0 : i32
    %dma_wait3A_428 = arith.constant 0 : i32
    %dma_wait3A_429 = tpu.memref_slice %arg6[%dma_wait3A_416, %dma_wait3A_427, %dma_wait3A_428] : memref<4x40x512xf32, #tpu.memory_space<vmem>> -> memref<1x40x512xf32, #tpu.memory_space<vmem>>
    %dma_wait3A_430 = tpu.memref_squeeze %dma_wait3A_429 : memref<1x40x512xf32, #tpu.memory_space<vmem>> -> memref<40x512xf32, #tpu.memory_space<vmem>>
    tpu.wait_dma2 semaphore(%arg8 : memref<!tpu.dma_semaphore, #tpu.memory_space<semaphore_mem>>) src(%dma_wait3A_430 : memref<40x512xf32, #tpu.memory_space<vmem>>) dst(%dma_wait3A_426 : memref<40x512xf32, #tpu.memory_space<hbm>>)
    %dma_wait3A_431 = arith.constant 3 : i32
    %dma_wait3A_432 = arith.constant 0 : i32
    %dma_wait3A_433 = arith.constant 0 : i32
    %dma_wait3A_434 = tpu.memref_slice %arg6[%dma_wait3A_431, %dma_wait3A_432, %dma_wait3A_433] : memref<4x40x512xf32, #tpu.memory_space<vmem>> -> memref<1x40x512xf32, #tpu.memory_space<vmem>>
    %dma_wait3A_435 = tpu.memref_squeeze %dma_wait3A_434 : memref<1x40x512xf32, #tpu.memory_space<vmem>> -> memref<40x512xf32, #tpu.memory_space<vmem>>
    %dma_wait3A_436 = arith.constant 0 : i32
    %dma_wait3A_437 = arith.constant 0 : i32
    %dma_wait3A_438 = tpu.memref_slice %arg4[%dma_wait3A_436, %dma_wait3A_437] : memref<204800x512xf32, #tpu.memory_space<hbm>> -> memref<40x512xf32, #tpu.memory_space<hbm>>
    %dma_wait3A_439 = arith.constant 0 : i32
    %dma_wait3A_440 = arith.constant 0 : i32
    %dma_wait3A_441 = tpu.memref_slice %arg4[%dma_wait3A_439, %dma_wait3A_440] : memref<204800x512xf32, #tpu.memory_space<hbm>> -> memref<40x512xf32, #tpu.memory_space<hbm>>
    %dma_wait3A_442 = arith.constant 0 : i32
    %dma_wait3A_443 = arith.constant 0 : i32
    %dma_wait3A_444 = tpu.memref_slice %arg6[%dma_wait3A_431, %dma_wait3A_442, %dma_wait3A_443] : memref<4x40x512xf32, #tpu.memory_space<vmem>> -> memref<1x40x512xf32, #tpu.memory_space<vmem>>
    %dma_wait3A_445 = tpu.memref_squeeze %dma_wait3A_444 : memref<1x40x512xf32, #tpu.memory_space<vmem>> -> memref<40x512xf32, #tpu.memory_space<vmem>>
    tpu.wait_dma2 semaphore(%arg8 : memref<!tpu.dma_semaphore, #tpu.memory_space<semaphore_mem>>) src(%dma_wait3A_445 : memref<40x512xf32, #tpu.memory_space<vmem>>) dst(%dma_wait3A_441 : memref<40x512xf32, #tpu.memory_space<hbm>>)
    return
  }
}

</mosaic_0001>

<sc_bundles>
// kernel: kernel.3.cloned.1.call-start
scs
__scs_entry_jumppad:
0x0: {  	(pc) =	sbr.rel $0x88, $3  }
0x1: {  	(tag) =	ssettag $0x0;
	lr =	simm.s32 $0x1  }
0x2: {  	[smem:$0x3F9F] =	sst lr;
	_ =	strace $0xD0000000  }
0x3: {  	_ = 	snop  }
0x4: {  	_ = 	snop  }
0x5: {  	_ = 	snop  }
0x6: {  	_ = 	snop  }
0x7: {  	_ = 	snop  }
__scs_overlays_trampoline_lowered:
0x8: {  	[smem:$0x3FAE] =	sst s0  }
0x9: {  	[smem:$0x3FAF] =	sst s1  }
0xa: {  	[smem:$0x3FB0] =	sst s2  }
0xb: {  	[smem:$0x3FB1] =	sst s3  }
0xc: {  	[smem:$0x3FB2] =	sst s4  }
0xd: {  	[smem:$0x3FB3] =	sst s5  }
0xe: {  	[smem:$0x3FB4] =	sst s6  }
0xf: {  	[smem:$0x3FB5] =	sst s7  }
0x10: {  	[smem:$0x3FB6] =	sst s8  }
0x11: {  	[smem:$0x3FB7] =	sst s9;
	s0 =	simm.s32 @!p0 $0x0  }
0x12: {  	s1 =	sld [smem:$0x3F9D];
	s0 =	simm.s32 @p0 $0x1  }
0x13: {  	[smem:$0x3FB8] =	sst s0;
	s0 =	simm.s32 @!p1 $0x0  }
0x14: {  	s2 =	sld [smem:$0x3F9C];
	s0 =	simm.s32 @p1 $0x1  }
0x15: {  	[smem:$0x3FB9] =	sst s0;
	s0 =	simm.s32 @!p2 $0x0  }
0x16: {  	s3 =	sld [smem:$0x3FDB];
	s0 =	simm.s32 @p2 $0x1  }
0x17: {  	s4 =	simm.s32 $0x1BF5;
	[smem:$0x3FBB] =	sst s0  }
0x18: {  	s0 =	sld [smem:$0x3F9E];
	_ =	swait.ge [sflag:s4], $0x0  }
0x19: {  	s7 =	sld [smem:$0x3F9F]  }
0x1a: {  	s8 =	sadd.s32 $0xFFFFE003, lr  }
0x1b: {  	s9 =	sadd.s32 $0xFFFFFEF7, lr;
	s5 =	simm.s32 $0xFFFFFFFF;
	p2 =	slt.u32 s8, $0xFFFFF086  }
0x1c: {  	p1 =	slt.u32 s9, $0xF7A;
	s5 =	simm.s32 @!p2 $0x0  }
0x1d: {  	s5 =	simm.s32 @p1 $0x1;
	p0 =	seq.s32 s7, s2  }
0x1e: {  	s7 =	smul.u32 @!p0 $0xF7A, s2;
	p2 =	seq.s32 @!p0 s5, $0x0  }
0x1f: {  	s9 =	smul.u32 $0xF7A, s1;
	s8 =	simm.s32 @!p0 $0x1BF5;
	p2 =	por !p2, p0  }
0x20: {  	[sflag:s8] =	ssyncset.s32 @!p0 $0xFFFFF086;
	s6 =	sadd.s32 @!p0 s3, s7;
	s7 =	simm.s32 @!p0 $0x108  }
0x21: {  	s3 =	sadd.s32 s3, s9;
	s6 =	sadd.s32 @!p0 $0x88, s6;
	s7 =	simm.s32 @p2 $0x1082  }
0x22: {  	[simem:s7], [sflag:s8] =	dma.local @!p0 [hbm:s6], $0xF7A  }
0x23: {  	s9 =	sor.u32 $0xD0000000, s2;
	s6 =	simm.s32 $0x108;
	_ =	swait.ge @!p0 [sflag:s8], $0x0  }
0x24: {  	s3 =	sadd.s32 $0x88, s3;
	s6 =	simm.s32 @!p1 $0x1082;
	[sflag:s4] =	ssyncset.s32 $0xFFFFF086  }
0x25: {  	[simem:s6], [sflag:s4] =	dma.local [hbm:s3], $0xF7A  }
0x26: {  	[smem:$0x3F9F] =	sst s1;
	(tag) =	ssettag s2;
	_ =	strace s9  }
0x27: {  	s1 =	sld [smem:$0x3FAF]  }
0x28: {  	s2 =	sld [smem:$0x3FB0]  }
0x29: {  	s4 =	sld [smem:$0x3FB2]  }
0x2a: {  	p0 =	seq.s32 s5, $0x0;
	s5 =	sld [smem:$0x3FB3]  }
0x2b: {  	s6 =	sld [smem:$0x3FB4]  }
0x2c: {  	s7 =	sld [smem:$0x3FB5]  }
0x2d: {  	s3 =	simm.s32 $0x108;
	s8 =	sld [smem:$0x3FB6]  }
0x2e: {  	s3 =	simm.s32 @!p0 $0x1082;
	s9 =	sld [smem:$0x3FB7]  }
0x2f: {  	lr =	sadd.s32 s0, s3;
	s0 =	sld [smem:$0x3FAE]  }
0x30: {  	s3 =	sld [smem:$0x3FB1]  }
0x31: {  	[smem:$0x3FBA] =	sst s10  }
0x32: {  	s10 =	sld [smem:$0x3FB8];
	_ =	sdelay $0x3  }
0x33: {  	p0 =	seq.s32 s10, $0x1;
	s10 =	sld [smem:$0x3FBA];
	_ =	sdelay $0x3  }
0x34: {  	[smem:$0x3FBA] =	sst s10  }
0x35: {  	s10 =	sld [smem:$0x3FB9];
	_ =	sdelay $0x3  }
0x36: {  	p1 =	seq.s32 s10, $0x1;
	s10 =	sld [smem:$0x3FBA];
	_ =	sdelay $0x3  }
0x37: {  	[smem:$0x3FBA] =	sst s10  }
0x38: {  	s10 =	sld [smem:$0x3FBB]  }
0x39: {  	_ = 	snop;
	(pc) =	sbr.ind lr, $3  }
0x3a: {  	_ = 	snop  }
0x3b: {  	_ = 	snop  }
0x3c: {  	p2 =	seq.s32 s10, $0x1;
	s10 =	sld [smem:$0x3FBA]  }
0x3d: {  	_ =	shalt  }
0x3e: {  	_ =	shalt  }
0x3f: {  	_ =	shalt  }
0x40: {  	_ =	shalt  }
0x41: {  	_ =	shalt  }
0x42: {  	_ =	shalt  }
0x43: {  	_ =	shalt  }
0x44: {  	_ =	shalt  }
0x45: {  	_ =	shalt  }
0x46: {  	_ =	shalt  }
0x47: {  	_ =	shalt  }
0x48: {  	_ =	shalt  }
0x49: {  	_ =	shalt  }
0x4a: {  	_ =	shalt  }
0x4b: {  	_ =	shalt  }
0x4c: {  	_ =	shalt  }
0x4d: {  	_ =	shalt  }
0x4e: {  	_ =	shalt  }
0x4f: {  	_ =	shalt  }
0x50: {  	_ =	shalt  }
0x51: {  	_ =	shalt  }
0x52: {  	_ =	shalt  }
0x53: {  	_ =	shalt  }
0x54: {  	_ =	shalt  }
0x55: {  	_ =	shalt  }
0x56: {  	_ =	shalt  }
0x57: {  	_ =	shalt  }
0x58: {  	_ =	shalt  }
0x59: {  	_ =	shalt  }
0x5a: {  	_ =	shalt  }
0x5b: {  	_ =	shalt  }
0x5c: {  	_ =	shalt  }
0x5d: {  	_ =	shalt  }
0x5e: {  	_ =	shalt  }
0x5f: {  	_ =	shalt  }
0x60: {  	_ =	shalt  }
0x61: {  	_ =	shalt  }
0x62: {  	_ =	shalt  }
0x63: {  	_ =	shalt  }
0x64: {  	_ =	shalt  }
0x65: {  	_ =	shalt  }
0x66: {  	_ =	shalt  }
0x67: {  	_ =	shalt  }
0x68: {  	_ =	shalt  }
0x69: {  	_ =	shalt  }
0x6a: {  	_ =	shalt  }
0x6b: {  	_ =	shalt  }
0x6c: {  	_ =	shalt  }
0x6d: {  	_ =	shalt  }
0x6e: {  	_ =	shalt  }
0x6f: {  	_ =	shalt  }
0x70: {  	_ =	shalt  }
0x71: {  	_ =	shalt  }
0x72: {  	_ =	shalt  }
0x73: {  	_ =	shalt  }
0x74: {  	_ =	shalt  }
0x75: {  	_ =	shalt  }
0x76: {  	_ =	shalt  }
0x77: {  	_ =	shalt  }
0x78: {  	_ =	shalt  }
0x79: {  	_ =	shalt  }
0x7a: {  	_ =	shalt  }
0x7b: {  	_ =	shalt  }
0x7c: {  	_ =	shalt  }
0x7d: {  	_ =	shalt  }
0x7e: {  	_ =	shalt  }
0x7f: {  	_ =	shalt  }
0x80: {  	_ =	shalt  }
0x81: {  	_ =	shalt  }
0x82: {  	_ =	shalt  }
0x83: {  	_ =	shalt  }
0x84: {  	_ =	shalt  }
0x85: {  	_ =	shalt  }
0x86: {  	_ =	shalt  }
0x87: {  	_ =	shalt  }
.Lfunc_end0:
.L_simem_size_0:
called_computation_lowered:
.L_overlay_start_0:
0x88: {  	s2 =	sld [smem:$0x3FD9]  }
0x89: {  	s3 =	sld [smem:$0x3FFE];
	_ =	sdelay $0x1  }
0x8a: {  	s1 =	srdreg.scid  }
0x8b: {  	s0 =	sand.u32 $0x1, s1  }
0x8c: {  	s17 =	sshll.u32 s0, $0xA;
	s2 =	sadd.s32 s3, s2  }
0x8d: {  	s2 =	sadd.s32 s2, s17  }
0x8e: {  	[smem:$0x3FC6] =	sst s2  }
0x8f: {  	_ = 	snop  }
0x90: {  	s2 =	sld [smem:$0x3FC8]  }
0x91: {  	s18 =	sld [smem:$0x3FD0];
	(tm) =	ssettm $0x1  }
0x92: {  	s4 =	sld [smem:$0x3FFB];
	_ =	sdelay $0x3  }
0x93: {  	_ =	strace s4  }
0x94: {  	s4 =	sld [smem:$0x3FFC];
	_ =	sdelay $0x3  }
0x95: {  	_ =	strace s4  }
0x96: {  	s4 =	sld [smem:$0x3FFD];
	_ =	sdelay $0x3  }
0x97: {  	_ =	strace s4  }
0x98: {  	_ =	strace $0x8FFFFFFF  }
0x99: {  	s19 =	sld [smem:$0x3FDB];
	_ =	sdelay $0x1  }
0x9a: {  	s5 =	simm.s32 $_scs_section_size  }
0x9b: {  	s6 =	simm.s32 $_size__tile_overlayer_lowered;
	s7 =	simm.s32 $_tile_overlayer_lowered  }
0x9c: {  	s22 =	simm.s32 $0x1BFF;
	s21 =	sshll.u32 s7, $0x1;
	s4 =	sadd.s32 s5, s19  }
0x9d: {  	s8 =	simm.s32 $0x0;
	s20 =	sshll.u32 s6, $0x1;
	s6 =	sadd.s32 s21, s4  }
0x9e: {  	[timem:s8], [sflag:s22] =	dma.local [hbm:s6], s20  }
0x9f: {  	_ =	swait.ge [sflag:s22], s20  }
0xa0: {  	s5 =	ssub.s32 $0x0, s20;
	[sflag:s22] =	ssyncset.done $0x0  }
0xa1: {  	[sflag:s22] =	ssyncadd.s32 s5;
	_ =	sdelay $0x1  }
0xa2: {  	s23 =	simm.s32 $0x1B8B  }
0xa3: {  	_ =	swait.ge [sflag:s23], $0x1  }
0xa4: {  	[sflag:s23] =	ssyncset.done $0x0  }
0xa5: {  	s25 =	simm.s32 $0x1B8E;
	s24 =	sld [smem:$0x3FFE];
	[sflag:s23] =	ssyncadd.s32 $0xFFFFFFFF  }
0xa6: {  	s26 =	simm.s32 $execute0_lowered;
	[smem:$0x3FD2] =	sst s25  }
0xa7: {  	s6 =	sshll.u32 s26, $0x1;
	_ =	strace $0x80000046;
	[dreg:$0x1] =	wrdreg $0xFFFFFFFF  }
0xa8: {  	s28 =	simm.s32 $_size_execute0_lowered;
	s4 =	sadd.s32 s4, s6;
	[dreg:$0x0] =	wrdreg $0x0  }
0xa9: {  	s6 =	sshll.u32 s28, $0x1;
	[dreg:$0x2] =	wrdreg s4  }
0xaa: {  	[dreg:$0x3] =	wrdreg s6  }
0xab: {  	[dreg:$0x4] =	wrdreg $0xC0  }
0xac: {  	_ =	task [dreg:s8], $0x5FFFF  }
0xad: {  	[dreg:$0x1] =	wrdreg $0xFFFFFFFF  }
0xae: {  	[dreg:$0x0] =	wrdreg $0x60  }
0xaf: {  	[dreg:$0x2] =	wrdreg s2  }
0xb0: {  	[dreg:$0x3] =	wrdreg s24  }
0xb1: {  	[dreg:$0x4] =	wrdreg s18  }
0xb2: {  	[dreg:$0x5] =	wrdreg $0x9  }
0xb3: {  	_ =	task.clear_ibuf [dreg:s8], $0x6FFFF;
	_ =	strace $0x90000046  }
0xb4: {  	s29 =	simm.s32 $0x9;
	_ =	strace $0x80000048  }
0xb5: {  	_ =	swait.ge [sflag:s29], $0x1  }
0xb6: {  	[sflag:s29] =	ssyncadd.s32 $0xFFFFFFFF  }
0xb7: {  	_ =	strace $0x90000048  }
0xb8: {  	_ =	sfence  }
0xb9: {  	s30 =	sld [smem:$0x0];
	_ =	sdelay $0x2  }
0xba: {  	s31 =	sshll.u32 s1, $0xD;
	s1 =	sshrl.u32 s1, $0x2  }
0xbb: {  	s3 =	sand.u32 $0x4000, s31;
	s1 =	sadd.s32 s1, s30  }
0xbc: {  	s0 =	sor.u32 s3, s0;
	s1 =	sshll.u32 s1, $0x11  }
0xbd: {  	s0 =	sor.u32 s1, s0  }
0xbe: {  	s0 =	sadd.s32 $0x8F2B, s0  }
0xbf: {  	[sflag:s0] =	ssyncadd.remote.s32 $0x1  }
0xc0: {  	_ =	sfence.sel $0xFFFF  }
0xc1: {  	[dreg:$0x0] =	wrdreg $0xFFFFFFFF;
	(pc) =	sbr.abs _section_cstart, $3  }
0xc2: {  	[dreg:$0x1] =	wrdreg $0xFFFFFFFF  }
0xc3: {  	_ =	task.clear_ibuf [dreg:s8], $0x2FFFF;
	_ =	strace $0x9FFFFFFF  }
0xc4: {  	(tm) =	ssettm $0x7FFFFFFF  }
0xc5: {  	_ =	shalt  }
tec
execute0_lowered:
.L_overlay_start_1:
0x0: {  	(tag) =	ssettag $0x1  }
0x1: {  	s1 =	rddreg [dreg:$0x0]  }
0x2: {  	s0 =	rddreg [dreg:$0x1];
	s2 =	srdreg.scid  }
0x3: {  	s9 =	stileid.u32;
	s4 =	rddreg [dreg:$0x2]  }
0x4: {  	s3 =	simm.s32 $0x0;
	s16 =	simm.s32 $0x1900;
	s11 =	simm.s32 $0x3900  }
0x5: {  	s12 =	simm.s32 $0x4100;
	s13 =	simm.s32 $0x4900;
	s14 =	simm.s32 $0x5900  }
0x6: {  	s15 =	simm.s32 $0x6100;
	s28 =	simm.s32 $0xB100;
	s10 =	simm.s32 $0xB900  }
0x7: {  	s31 =	simm.s32 $0x15100;
	s2 =	sand.u32 $0x1, s2;
	s5 =	sshll.u32 s9, $0x1  }
0x8: {  	s29 =	simm.s32 $0x0;
	s21 =	smul.u32 $0xC8000, s9;
	s5 =	sor.u32 s2, s5  }
0x9: {  	s30 =	simm.s32 $0xB100;
	[smem:$0x7FF] =	sst s3;
	s6 =	smul.u32 $0x1900, s5  }
0xa: {  	s9 =	simm.s32 $0x1;
	s7 =	ssub.s32 $0x2, s2;
	s8 =	smul.u32 $0x64000, s5  }
0xb: {  	_ =	strace $0x80000047;
	s17 =	sshrl.u32 s7, $0x1;
	s5 =	smul.u32 $0x320000, s5  }
0xc: {  	s2 =	smul.u32 $0x64000, s2;
	s7 =	ssub.s32 s7, s17;
	s17 =	simm.s32 $0x7100  }
0xd: {  	s6 =	sshrl.u32 s6, $0x3;
	s8 =	sadd.s32 s4, s8;
	s19 =	sshrl.u32 s5, $0x3  }
0xe: {  	s25 =	smax.u32 s7, $0x1;
	s7 =	simm.s32 $0x3100;
	[dreg:$0x6] =	wrdreg s8  }
0xf: {  	s5 =	simm.s32 $0x5100;
	s18 =	sadd.s32 $0xA00, s8;
	[dreg:$0xe] =	wrdreg s25  }
0x10: {  	s0 =	sadd.s32 s6, s0;
	s20 =	sadd.s32 $0x1400, s8;
	[dreg:$0x7] =	wrdreg s18  }
0x11: {  	s6 =	sadd.s32 $0x100, s1;
	s8 =	sadd.s32 $0x1E00, s8;
	[dreg:$0x8] =	wrdreg s20  }
0x12: {  	s25 =	simm.s32 $0xA900;
	s0 =	sadd.s32 $0x400, s0;
	[dreg:$0x9] =	wrdreg s8  }
0x13: {  	s8 =	simm.s32 $0x2100;
	[dreg:$0x5] =	wrdreg s0;
	s0 =	sadd.s32 s4, s19  }
0x14: {  	s18 =	simm.s32 $0x7900;
	s20 =	simm.s32 $0x10900;
	s22 =	sadd.s32 $0x61800, s0  }
0x15: {  	s4 =	sadd.s32 s21, s4;
	s23 =	sadd.s32 $0x62200, s0;
	[dreg:$0xa] =	wrdreg s22  }
0x16: {  	s19 =	simm.s32 $0x8100;
	s24 =	sadd.s32 $0x62C00, s0;
	[dreg:$0xb] =	wrdreg s23  }
0x17: {  	s21 =	simm.s32 $0x8900;
	s0 =	sadd.s32 $0x63600, s0;
	[dreg:$0xc] =	wrdreg s24  }
0x18: {  	v2 =	vlaneseq.u32;
	s26 =	sadd.s32 s2, s4;
	s4 =	simm.s32 $0x2900;
	[dreg:$0xd] =	wrdreg s0  }
0x19: {  	vm0 =	vmmov $0xffff;
	v1 =	vshrl.u32 v2, $0x3;
	s2 =	simm.s32 $0x2;
	[dreg:$0x4] =	wrdreg s26;
	s26 =	simm.s32 $0x6900  }
0x1a: {  	v0 =	vand.u32 $0x7, v2;
	v2 =	vor.u32 $0x8, v2;
	v1 =	vmul.u32 $0x8, v1;
	s22 =	simm.s32 $0x9100;
	s23 =	simm.s32 $0x9900;
	s24 =	simm.s32 $0xA100  }
.LBB2_1:
0x1b: {  	s0 =	rddreg [dreg:$0x5]  }
0x1c: {  	[tilespmem:s3], [sflag:$0x3] =	stream.linear.gather [hbm4b:s0+s3], $0x1900, $0x38;
	[tilespmem:$0x15900] =	vst v63  }
0x1d: {  	[dreg:$0xf] =	wrdreg s29;
	s0 =	simm.s32 $0x3  }
0x1e: {  	_ =	swait.ge [sflag:s0], $0x1900  }
0x1f: {  	[sflag:s0] =	ssyncset.done $0x0  }
0x20: {  	[sflag:s0] =	ssyncadd.s32 $0xFFFFE700  }
0x21: {  	v3 =	vld [tilespmem:$0x0];
	_ =	sdelay $0x4  }
0x22: {  	v4 =	vshll.u32 v3, $0x2  }
0x23: {  	v3 =	vand.u32 $0x7, v3;
	v4 =	vand.u32 $0xFFFFFFE0, v4  }
0x24: {  	v3 =	vor.u32 v3, v4  }
0x25: {  	v4 =	vperm.xlane v3, v0;
	_ =	sdelay $0x1  }
0x26: {  	v4 =	vadd.s32 v1, v4;
	_ =	sdelay $0x1  }
0x27: {  	v3 =	vperm.xlane v3, v2;
	_ =	sdelay $0x1  }
0x28: {  	v3 =	vadd.s32 v1, v3  }
0x29: {  	[tilespmem:s16], [sflag:$0x1] =	stream.indirect_vreg.gather [hbm4b:s1+s3], $0x80, v4, vm0, $0xb8;
	[tilespmem:$0x15900] =	vst v63  }
0x2a: {  	_ = 	snop  }
0x2b: {  	[tilespmem:s8], [sflag:$0x1] =	stream.indirect_vreg.gather [hbm4b:s6+s3], $0x80, v4, vm0, $0xb8;
	[tilespmem:$0x15900] =	vst v63  }
0x2c: {  	_ = 	snop  }
0x2d: {  	[tilespmem:s4], [sflag:$0x1] =	stream.indirect_vreg.gather [hbm4b:s1+s3], $0x80, v3, vm0, $0xb8;
	[tilespmem:$0x15900] =	vst v63  }
0x2e: {  	_ = 	snop  }
0x2f: {  	[tilespmem:s7], [sflag:$0x1] =	stream.indirect_vreg.gather [hbm4b:s6+s3], $0x80, v3, vm0, $0xb8;
	[tilespmem:$0x15900] =	vst v63  }
0x30: {  	v3 =	vld [tilespmem:$0x10];
	_ =	sdelay $0x4  }
0x31: {  	v47 =	vshll.u32 v3, $0x2  }
0x32: {  	v3 =	vand.u32 $0x7, v3;
	v4 =	vand.u32 $0xFFFFFFE0, v47  }
0x33: {  	v3 =	vor.u32 v3, v4  }
0x34: {  	v4 =	vperm.xlane v3, v0;
	_ =	sdelay $0x1  }
0x35: {  	v4 =	vadd.s32 v1, v4;
	_ =	sdelay $0x1  }
0x36: {  	v3 =	vperm.xlane v3, v2;
	_ =	sdelay $0x1  }
0x37: {  	v3 =	vadd.s32 v1, v3  }
0x38: {  	[tilespmem:s11], [sflag:$0x1] =	stream.indirect_vreg.gather [hbm4b:s1+s3], $0x80, v4, vm0, $0xb8;
	[tilespmem:$0x15900] =	vst v63  }
0x39: {  	_ = 	snop  }
0x3a: {  	[tilespmem:s12], [sflag:$0x1] =	stream.indirect_vreg.gather [hbm4b:s6+s3], $0x80, v4, vm0, $0xb8;
	[tilespmem:$0x15900] =	vst v63  }
0x3b: {  	_ = 	snop  }
0x3c: {  	[tilespmem:s13], [sflag:$0x1] =	stream.indirect_vreg.gather [hbm4b:s1+s3], $0x80, v3, vm0, $0xb8;
	[tilespmem:$0x15900] =	vst v63  }
0x3d: {  	_ = 	snop  }
0x3e: {  	[tilespmem:s5], [sflag:$0x1] =	stream.indirect_vreg.gather [hbm4b:s6+s3], $0x80, v3, vm0, $0xb8;
	[tilespmem:$0x15900] =	vst v63  }
0x3f: {  	v3 =	vld.msk [tilespmem:$0x20], $0xff;
	_ =	sdelay $0x4  }
0x40: {  	v48 =	vshll.u32 v3, $0x2  }
0x41: {  	v3 =	vand.u32 $0x7, v3;
	v4 =	vand.u32 $0xFFFFFFE0, v48  }
0x42: {  	v3 =	vor.u32 v3, v4  }
0x43: {  	v3 =	vperm.xlane v3, v0;
	_ =	sdelay $0x1  }
0x44: {  	v3 =	vadd.s32 v1, v3;
	_ =	sdelay $0x4  }
0x45: {  	[tilespmem:s14], [sflag:$0x1] =	stream.indirect_vreg.gather [hbm4b:s1+s3], $0x80, v3, vm0, $0xb8;
	[tilespmem:$0x15900] =	vst v63  }
0x46: {  	_ = 	snop  }
0x47: {  	[tilespmem:s15], [sflag:$0x1] =	stream.indirect_vreg.gather [hbm4b:s6+s3], $0x80, v3, vm0, $0xb8;
	[tilespmem:$0x15900] =	vst v63  }
0x48: {  	v3 =	vld [tilespmem:$0x28];
	_ =	sdelay $0x4  }
0x49: {  	v49 =	vshll.u32 v3, $0x2  }
0x4a: {  	v3 =	vand.u32 $0x7, v3;
	v4 =	vand.u32 $0xFFFFFFE0, v49  }
0x4b: {  	v3 =	vor.u32 v3, v4  }
0x4c: {  	v4 =	vperm.xlane v3, v0;
	_ =	sdelay $0x1  }
0x4d: {  	v4 =	vadd.s32 v1, v4;
	_ =	sdelay $0x1  }
0x4e: {  	v3 =	vperm.xlane v3, v2;
	_ =	sdelay $0x1  }
0x4f: {  	v3 =	vadd.s32 v1, v3  }
0x50: {  	[tilespmem:s26], [sflag:$0x1] =	stream.indirect_vreg.gather [hbm4b:s1+s3], $0x80, v4, vm0, $0xb8;
	[tilespmem:$0x15900] =	vst v63  }
0x51: {  	_ = 	snop  }
0x52: {  	[tilespmem:s17], [sflag:$0x1] =	stream.indirect_vreg.gather [hbm4b:s6+s3], $0x80, v4, vm0, $0xb8;
	[tilespmem:$0x15900] =	vst v63  }
0x53: {  	_ = 	snop  }
0x54: {  	[tilespmem:s18], [sflag:$0x1] =	stream.indirect_vreg.gather [hbm4b:s1+s3], $0x80, v3, vm0, $0xb8;
	[tilespmem:$0x15900] =	vst v63  }
0x55: {  	_ = 	snop  }
0x56: {  	[tilespmem:s19], [sflag:$0x1] =	stream.indirect_vreg.gather [hbm4b:s6+s3], $0x80, v3, vm0, $0xb8;
	[tilespmem:$0x15900] =	vst v63  }
0x57: {  	v3 =	vld [tilespmem:$0x38];
	_ =	sdelay $0x4  }
0x58: {  	v50 =	vshll.u32 v3, $0x2  }
0x59: {  	v3 =	vand.u32 $0x7, v3;
	v4 =	vand.u32 $0xFFFFFFE0, v50  }
0x5a: {  	v3 =	vor.u32 v3, v4  }
0x5b: {  	v4 =	vperm.xlane v3, v0;
	_ =	sdelay $0x1  }
0x5c: {  	v4 =	vadd.s32 v1, v4;
	_ =	sdelay $0x1  }
0x5d: {  	v3 =	vperm.xlane v3, v2;
	_ =	sdelay $0x1  }
0x5e: {  	v3 =	vadd.s32 v1, v3  }
0x5f: {  	[tilespmem:s21], [sflag:$0x1] =	stream.indirect_vreg.gather [hbm4b:s1+s3], $0x80, v4, vm0, $0xb8;
	[tilespmem:$0x15900] =	vst v63  }
0x60: {  	_ = 	snop  }
0x61: {  	[tilespmem:s22], [sflag:$0x1] =	stream.indirect_vreg.gather [hbm4b:s6+s3], $0x80, v4, vm0, $0xb8;
	[tilespmem:$0x15900] =	vst v63  }
0x62: {  	_ = 	snop  }
0x63: {  	[tilespmem:s23], [sflag:$0x1] =	stream.indirect_vreg.gather [hbm4b:s1+s3], $0x80, v3, vm0, $0xb8;
	[tilespmem:$0x15900] =	vst v63  }
0x64: {  	_ = 	snop  }
0x65: {  	[tilespmem:s24], [sflag:$0x1] =	stream.indirect_vreg.gather [hbm4b:s6+s3], $0x80, v3, vm0, $0xb8;
	[tilespmem:$0x15900] =	vst v63  }
0x66: {  	v3 =	vld.msk [tilespmem:$0x48], $0xff;
	_ =	sdelay $0x4  }
0x67: {  	v51 =	vshll.u32 v3, $0x2  }
0x68: {  	v3 =	vand.u32 $0x7, v3;
	v4 =	vand.u32 $0xFFFFFFE0, v51  }
0x69: {  	v3 =	vor.u32 v3, v4  }
0x6a: {  	v3 =	vperm.xlane v3, v0;
	_ =	sdelay $0x1  }
0x6b: {  	v3 =	vadd.s32 v1, v3;
	_ =	sdelay $0x4  }
0x6c: {  	[tilespmem:s25], [sflag:$0x1] =	stream.indirect_vreg.gather [hbm4b:s1+s3], $0x80, v3, vm0, $0xb8;
	[tilespmem:$0x15900] =	vst v63  }
0x6d: {  	_ = 	snop  }
0x6e: {  	[tilespmem:s28], [sflag:$0x1] =	stream.indirect_vreg.gather [hbm4b:s6+s3], $0x80, v3, vm0, $0xb8;
	[tilespmem:$0x15900] =	vst v63  }
0x6f: {  	_ =	swait.ge [sflag:s9], $0x5000  }
0x70: {  	[sflag:s9] =	ssyncset.done $0x0  }
0x71: {  	s0 =	rddreg [dreg:$0x6];
	[sflag:s9] =	ssyncadd.s32 $0xFFFFB000  }
0x72: {  	[hbm4b:s0+s3] =	stream.linear.scatter [tilespmem:s16], [sflag:$0x2], $0x5000, $0x38;
	[tilespmem:$0x15900] =	vst v63  }
0x73: {  	v3 =	vld [tilespmem:$0x50];
	_ =	sdelay $0x4  }
0x74: {  	v52 =	vshll.u32 v3, $0x2  }
0x75: {  	v3 =	vand.u32 $0x7, v3;
	v4 =	vand.u32 $0xFFFFFFE0, v52  }
0x76: {  	v3 =	vor.u32 v3, v4  }
0x77: {  	v4 =	vperm.xlane v3, v0;
	_ =	sdelay $0x1  }
0x78: {  	v4 =	vadd.s32 v1, v4;
	_ =	sdelay $0x1  }
0x79: {  	v3 =	vperm.xlane v3, v2;
	_ =	sdelay $0x1  }
0x7a: {  	v3 =	vadd.s32 v1, v3  }
0x7b: {  	[tilespmem:s10], [sflag:$0x1] =	stream.indirect_vreg.gather [hbm4b:s1+s3], $0x80, v4, vm0, $0xb8;
	[tilespmem:$0x15900] =	vst v63  }
0x7c: {  	s0 =	simm.s32 $0xC100  }
0x7d: {  	[tilespmem:s0], [sflag:$0x1] =	stream.indirect_vreg.gather [hbm4b:s6+s3], $0x80, v4, vm0, $0xb8;
	[tilespmem:$0x15900] =	vst v63  }
0x7e: {  	s0 =	simm.s32 $0xC900  }
0x7f: {  	[tilespmem:s0], [sflag:$0x1] =	stream.indirect_vreg.gather [hbm4b:s1+s3], $0x80, v3, vm0, $0xb8;
	[tilespmem:$0x15900] =	vst v63  }
0x80: {  	s0 =	simm.s32 $0xD100  }
0x81: {  	[tilespmem:s0], [sflag:$0x1] =	stream.indirect_vreg.gather [hbm4b:s6+s3], $0x80, v3, vm0, $0xb8;
	[tilespmem:$0x15900] =	vst v63  }
0x82: {  	v3 =	vld [tilespmem:$0x60];
	_ =	sdelay $0x4  }
0x83: {  	v53 =	vshll.u32 v3, $0x2  }
0x84: {  	v3 =	vand.u32 $0x7, v3;
	v4 =	vand.u32 $0xFFFFFFE0, v53  }
0x85: {  	v3 =	vor.u32 v3, v4  }
0x86: {  	v4 =	vperm.xlane v3, v0;
	_ =	sdelay $0x1  }
0x87: {  	v4 =	vadd.s32 v1, v4;
	_ =	sdelay $0x1  }
0x88: {  	v3 =	vperm.xlane v3, v2;
	_ =	sdelay $0x1  }
0x89: {  	s0 =	simm.s32 $0xD900;
	v3 =	vadd.s32 v1, v3  }
0x8a: {  	[tilespmem:s0], [sflag:$0x1] =	stream.indirect_vreg.gather [hbm4b:s1+s3], $0x80, v4, vm0, $0xb8;
	[tilespmem:$0x15900] =	vst v63  }
0x8b: {  	s0 =	simm.s32 $0xE100  }
0x8c: {  	[tilespmem:s0], [sflag:$0x1] =	stream.indirect_vreg.gather [hbm4b:s6+s3], $0x80, v4, vm0, $0xb8;
	[tilespmem:$0x15900] =	vst v63  }
0x8d: {  	s0 =	simm.s32 $0xE900  }
0x8e: {  	[tilespmem:s0], [sflag:$0x1] =	stream.indirect_vreg.gather [hbm4b:s1+s3], $0x80, v3, vm0, $0xb8;
	[tilespmem:$0x15900] =	vst v63  }
0x8f: {  	s0 =	simm.s32 $0xF100  }
0x90: {  	[tilespmem:s0], [sflag:$0x1] =	stream.indirect_vreg.gather [hbm4b:s6+s3], $0x80, v3, vm0, $0xb8;
	[tilespmem:$0x15900] =	vst v63  }
0x91: {  	v3 =	vld.msk [tilespmem:$0x70], $0xff;
	_ =	sdelay $0x4  }
0x92: {  	v54 =	vshll.u32 v3, $0x2  }
0x93: {  	v3 =	vand.u32 $0x7, v3;
	v4 =	vand.u32 $0xFFFFFFE0, v54  }
0x94: {  	v3 =	vor.u32 v3, v4  }
0x95: {  	v3 =	vperm.xlane v3, v0;
	_ =	sdelay $0x1  }
0x96: {  	v3 =	vadd.s32 v1, v3;
	_ =	sdelay $0x3  }
0x97: {  	s0 =	simm.s32 $0xF900  }
0x98: {  	[tilespmem:s0], [sflag:$0x1] =	stream.indirect_vreg.gather [hbm4b:s1+s3], $0x80, v3, vm0, $0xb8;
	[tilespmem:$0x15900] =	vst v63  }
0x99: {  	s0 =	simm.s32 $0x10100  }
0x9a: {  	[tilespmem:s0], [sflag:$0x1] =	stream.indirect_vreg.gather [hbm4b:s6+s3], $0x80, v3, vm0, $0xb8;
	[tilespmem:$0x15900] =	vst v63  }
0x9b: {  	_ =	swait.ge [sflag:s9], $0x5000  }
0x9c: {  	[sflag:s9] =	ssyncset.done $0x0  }
0x9d: {  	s0 =	rddreg [dreg:$0x7];
	[sflag:s9] =	ssyncadd.s32 $0xFFFFB000  }
0x9e: {  	[hbm4b:s0+s3] =	stream.linear.scatter [tilespmem:s26], [sflag:$0x2], $0x5000, $0x38;
	[tilespmem:$0x15900] =	vst v63  }
0x9f: {  	v3 =	vld [tilespmem:$0x78];
	_ =	sdelay $0x4  }
0xa0: {  	v55 =	vshll.u32 v3, $0x2  }
0xa1: {  	v3 =	vand.u32 $0x7, v3;
	v4 =	vand.u32 $0xFFFFFFE0, v55  }
0xa2: {  	v3 =	vor.u32 v3, v4  }
0xa3: {  	v4 =	vperm.xlane v3, v0;
	_ =	sdelay $0x1  }
0xa4: {  	v4 =	vadd.s32 v1, v4;
	_ =	sdelay $0x1  }
0xa5: {  	v3 =	vperm.xlane v3, v2;
	_ =	sdelay $0x1  }
0xa6: {  	v3 =	vadd.s32 v1, v3  }
0xa7: {  	[tilespmem:s20], [sflag:$0x1] =	stream.indirect_vreg.gather [hbm4b:s1+s3], $0x80, v4, vm0, $0xb8;
	[tilespmem:$0x15900] =	vst v63  }
0xa8: {  	s0 =	simm.s32 $0x11100  }
0xa9: {  	[tilespmem:s0], [sflag:$0x1] =	stream.indirect_vreg.gather [hbm4b:s6+s3], $0x80, v4, vm0, $0xb8;
	[tilespmem:$0x15900] =	vst v63  }
0xaa: {  	s0 =	simm.s32 $0x11900  }
0xab: {  	[tilespmem:s0], [sflag:$0x1] =	stream.indirect_vreg.gather [hbm4b:s1+s3], $0x80, v3, vm0, $0xb8;
	[tilespmem:$0x15900] =	vst v63  }
0xac: {  	s0 =	simm.s32 $0x12100  }
0xad: {  	[tilespmem:s0], [sflag:$0x1] =	stream.indirect_vreg.gather [hbm4b:s6+s3], $0x80, v3, vm0, $0xb8;
	[tilespmem:$0x15900] =	vst v63  }
0xae: {  	v3 =	vld [tilespmem:$0x88];
	_ =	sdelay $0x4  }
0xaf: {  	v56 =	vshll.u32 v3, $0x2  }
0xb0: {  	v3 =	vand.u32 $0x7, v3;
	v4 =	vand.u32 $0xFFFFFFE0, v56  }
0xb1: {  	v3 =	vor.u32 v3, v4  }
0xb2: {  	v4 =	vperm.xlane v3, v0;
	_ =	sdelay $0x1  }
0xb3: {  	v4 =	vadd.s32 v1, v4;
	_ =	sdelay $0x1  }
0xb4: {  	v3 =	vperm.xlane v3, v2;
	_ =	sdelay $0x1  }
0xb5: {  	s0 =	simm.s32 $0x12900;
	v3 =	vadd.s32 v1, v3  }
0xb6: {  	[tilespmem:s0], [sflag:$0x1] =	stream.indirect_vreg.gather [hbm4b:s1+s3], $0x80, v4, vm0, $0xb8;
	[tilespmem:$0x15900] =	vst v63  }
0xb7: {  	s0 =	simm.s32 $0x13100  }
0xb8: {  	[tilespmem:s0], [sflag:$0x1] =	stream.indirect_vreg.gather [hbm4b:s6+s3], $0x80, v4, vm0, $0xb8;
	[tilespmem:$0x15900] =	vst v63  }
0xb9: {  	s0 =	simm.s32 $0x13900  }
0xba: {  	[tilespmem:s0], [sflag:$0x1] =	stream.indirect_vreg.gather [hbm4b:s1+s3], $0x80, v3, vm0, $0xb8;
	[tilespmem:$0x15900] =	vst v63  }
0xbb: {  	s0 =	simm.s32 $0x14100  }
0xbc: {  	[tilespmem:s0], [sflag:$0x1] =	stream.indirect_vreg.gather [hbm4b:s6+s3], $0x80, v3, vm0, $0xb8;
	[tilespmem:$0x15900] =	vst v63  }
0xbd: {  	v3 =	vld.msk [tilespmem:$0x98], $0xff;
	_ =	sdelay $0x4  }
0xbe: {  	v57 =	vshll.u32 v3, $0x2  }
0xbf: {  	v3 =	vand.u32 $0x7, v3;
	v4 =	vand.u32 $0xFFFFFFE0, v57  }
0xc0: {  	v3 =	vor.u32 v3, v4  }
0xc1: {  	v3 =	vperm.xlane v3, v0;
	_ =	sdelay $0x1  }
0xc2: {  	v3 =	vadd.s32 v1, v3;
	_ =	sdelay $0x3  }
0xc3: {  	s0 =	simm.s32 $0x14900  }
0xc4: {  	[tilespmem:s0], [sflag:$0x1] =	stream.indirect_vreg.gather [hbm4b:s1+s3], $0x80, v3, vm0, $0xb8;
	[tilespmem:$0x15900] =	vst v63  }
0xc5: {  	_ = 	snop  }
0xc6: {  	[tilespmem:s31], [sflag:$0x1] =	stream.indirect_vreg.gather [hbm4b:s6+s3], $0x80, v3, vm0, $0xb8;
	[tilespmem:$0x15900] =	vst v63  }
0xc7: {  	_ =	swait.ge [sflag:s9], $0x5000  }
0xc8: {  	[sflag:s9] =	ssyncset.done $0x0  }
0xc9: {  	s0 =	rddreg [dreg:$0x8];
	[sflag:s9] =	ssyncadd.s32 $0xFFFFB000  }
0xca: {  	[hbm4b:s0+s3] =	stream.linear.scatter [tilespmem:s10], [sflag:$0x2], $0x5000, $0x38;
	[tilespmem:$0x15900] =	vst v63  }
0xcb: {  	_ =	swait.ge [sflag:s2], $0x5000  }
0xcc: {  	[sflag:s2] =	ssyncset.done $0x0  }
0xcd: {  	[sflag:s2] =	ssyncadd.s32 $0xFFFFB000  }
0xce: {  	v3 =	vld [tilespmem:$0xA0];
	_ =	sdelay $0x4  }
0xcf: {  	v58 =	vshll.u32 v3, $0x2  }
0xd0: {  	v3 =	vand.u32 $0x7, v3;
	v4 =	vand.u32 $0xFFFFFFE0, v58  }
0xd1: {  	v3 =	vor.u32 v3, v4  }
0xd2: {  	v4 =	vperm.xlane v3, v0;
	_ =	sdelay $0x1  }
0xd3: {  	v4 =	vadd.s32 v1, v4;
	_ =	sdelay $0x1  }
0xd4: {  	v3 =	vperm.xlane v3, v2;
	_ =	sdelay $0x1  }
0xd5: {  	v3 =	vadd.s32 v1, v3  }
0xd6: {  	[tilespmem:s16], [sflag:$0x1] =	stream.indirect_vreg.gather [hbm4b:s1+s3], $0x80, v4, vm0, $0xb8;
	[tilespmem:$0x15900] =	vst v63  }
0xd7: {  	_ = 	snop  }
0xd8: {  	[tilespmem:s8], [sflag:$0x1] =	stream.indirect_vreg.gather [hbm4b:s6+s3], $0x80, v4, vm0, $0xb8;
	[tilespmem:$0x15900] =	vst v63  }
0xd9: {  	_ = 	snop  }
0xda: {  	[tilespmem:s4], [sflag:$0x1] =	stream.indirect_vreg.gather [hbm4b:s1+s3], $0x80, v3, vm0, $0xb8;
	[tilespmem:$0x15900] =	vst v63  }
0xdb: {  	_ = 	snop  }
0xdc: {  	[tilespmem:s7], [sflag:$0x1] =	stream.indirect_vreg.gather [hbm4b:s6+s3], $0x80, v3, vm0, $0xb8;
	[tilespmem:$0x15900] =	vst v63  }
0xdd: {  	v3 =	vld [tilespmem:$0xB0];
	_ =	sdelay $0x4  }
0xde: {  	v59 =	vshll.u32 v3, $0x2  }
0xdf: {  	v3 =	vand.u32 $0x7, v3;
	v4 =	vand.u32 $0xFFFFFFE0, v59  }
0xe0: {  	v3 =	vor.u32 v3, v4  }
0xe1: {  	v4 =	vperm.xlane v3, v0;
	_ =	sdelay $0x1  }
0xe2: {  	v4 =	vadd.s32 v1, v4;
	_ =	sdelay $0x1  }
0xe3: {  	v3 =	vperm.xlane v3, v2;
	_ =	sdelay $0x1  }
0xe4: {  	v3 =	vadd.s32 v1, v3  }
0xe5: {  	[tilespmem:s11], [sflag:$0x1] =	stream.indirect_vreg.gather [hbm4b:s1+s3], $0x80, v4, vm0, $0xb8;
	[tilespmem:$0x15900] =	vst v63  }
0xe6: {  	_ = 	snop  }
0xe7: {  	[tilespmem:s12], [sflag:$0x1] =	stream.indirect_vreg.gather [hbm4b:s6+s3], $0x80, v4, vm0, $0xb8;
	[tilespmem:$0x15900] =	vst v63  }
0xe8: {  	_ = 	snop  }
0xe9: {  	[tilespmem:s13], [sflag:$0x1] =	stream.indirect_vreg.gather [hbm4b:s1+s3], $0x80, v3, vm0, $0xb8;
	[tilespmem:$0x15900] =	vst v63  }
0xea: {  	_ = 	snop  }
0xeb: {  	[tilespmem:s5], [sflag:$0x1] =	stream.indirect_vreg.gather [hbm4b:s6+s3], $0x80, v3, vm0, $0xb8;
	[tilespmem:$0x15900] =	vst v63  }
0xec: {  	v3 =	vld.msk [tilespmem:$0xC0], $0xff;
	_ =	sdelay $0x4  }
0xed: {  	v60 =	vshll.u32 v3, $0x2  }
0xee: {  	v3 =	vand.u32 $0x7, v3;
	v4 =	vand.u32 $0xFFFFFFE0, v60  }
0xef: {  	v3 =	vor.u32 v3, v4  }
0xf0: {  	v3 =	vperm.xlane v3, v0;
	_ =	sdelay $0x1  }
0xf1: {  	v3 =	vadd.s32 v1, v3;
	_ =	sdelay $0x4  }
0xf2: {  	[tilespmem:s14], [sflag:$0x1] =	stream.indirect_vreg.gather [hbm4b:s1+s3], $0x80, v3, vm0, $0xb8;
	[tilespmem:$0x15900] =	vst v63  }
0xf3: {  	_ = 	snop  }
0xf4: {  	[tilespmem:s15], [sflag:$0x1] =	stream.indirect_vreg.gather [hbm4b:s6+s3], $0x80, v3, vm0, $0xb8;
	[tilespmem:$0x15900] =	vst v63  }
0xf5: {  	_ =	swait.ge [sflag:s9], $0x5000  }
0xf6: {  	[sflag:s9] =	ssyncset.done $0x0  }
0xf7: {  	s15 =	rddreg [dreg:$0x9];
	[sflag:s9] =	ssyncadd.s32 $0xFFFFB000  }
0xf8: {  	[hbm4b:s15+s3] =	stream.linear.scatter [tilespmem:s20], [sflag:$0x2], $0x5000, $0x38;
	[tilespmem:$0x15900] =	vst v63  }
0xf9: {  	_ =	swait.ge [sflag:s2], $0x5000  }
0xfa: {  	[sflag:s2] =	ssyncset.done $0x0  }
0xfb: {  	[sflag:s2] =	ssyncadd.s32 $0xFFFFB000  }
0xfc: {  	v3 =	vld [tilespmem:$0xC8];
	_ =	sdelay $0x4  }
0xfd: {  	v61 =	vshll.u32 v3, $0x2  }
0xfe: {  	v3 =	vand.u32 $0x7, v3;
	v4 =	vand.u32 $0xFFFFFFE0, v61  }
0xff: {  	v3 =	vor.u32 v3, v4  }
0x100: {  	v4 =	vperm.xlane v3, v0;
	_ =	sdelay $0x1  }
0x101: {  	v4 =	vadd.s32 v1, v4;
	_ =	sdelay $0x1  }
0x102: {  	v3 =	vperm.xlane v3, v2;
	_ =	sdelay $0x1  }
0x103: {  	v3 =	vadd.s32 v1, v3  }
0x104: {  	[tilespmem:s26], [sflag:$0x1] =	stream.indirect_vreg.gather [hbm4b:s1+s3], $0x80, v4, vm0, $0xb8;
	[tilespmem:$0x15900] =	vst v63  }
0x105: {  	_ = 	snop  }
0x106: {  	[tilespmem:s17], [sflag:$0x1] =	stream.indirect_vreg.gather [hbm4b:s6+s3], $0x80, v4, vm0, $0xb8;
	[tilespmem:$0x15900] =	vst v63  }
0x107: {  	_ = 	snop  }
0x108: {  	[tilespmem:s18], [sflag:$0x1] =	stream.indirect_vreg.gather [hbm4b:s1+s3], $0x80, v3, vm0, $0xb8;
	[tilespmem:$0x15900] =	vst v63  }
0x109: {  	_ = 	snop  }
0x10a: {  	[tilespmem:s19], [sflag:$0x1] =	stream.indirect_vreg.gather [hbm4b:s6+s3], $0x80, v3, vm0, $0xb8;
	[tilespmem:$0x15900] =	vst v63  }
0x10b: {  	v3 =	vld [tilespmem:$0xD8];
	_ =	sdelay $0x4  }
0x10c: {  	v62 =	vshll.u32 v3, $0x2  }
0x10d: {  	v3 =	vand.u32 $0x7, v3;
	v4 =	vand.u32 $0xFFFFFFE0, v62  }
0x10e: {  	v3 =	vor.u32 v3, v4  }
0x10f: {  	v4 =	vperm.xlane v3, v0;
	_ =	sdelay $0x1  }
0x110: {  	v4 =	vadd.s32 v1, v4;
	_ =	sdelay $0x1  }
0x111: {  	v3 =	vperm.xlane v3, v2;
	_ =	sdelay $0x1  }
0x112: {  	v3 =	vadd.s32 v1, v3  }
0x113: {  	[tilespmem:s21], [sflag:$0x1] =	stream.indirect_vreg.gather [hbm4b:s1+s3], $0x80, v4, vm0, $0xb8;
	[tilespmem:$0x15900] =	vst v63  }
0x114: {  	_ = 	snop  }
0x115: {  	[tilespmem:s22], [sflag:$0x1] =	stream.indirect_vreg.gather [hbm4b:s6+s3], $0x80, v4, vm0, $0xb8;
	[tilespmem:$0x15900] =	vst v63  }
0x116: {  	_ = 	snop  }
0x117: {  	[tilespmem:s23], [sflag:$0x1] =	stream.indirect_vreg.gather [hbm4b:s1+s3], $0x80, v3, vm0, $0xb8;
	[tilespmem:$0x15900] =	vst v63  }
0x118: {  	_ = 	snop  }
0x119: {  	[tilespmem:s24], [sflag:$0x1] =	stream.indirect_vreg.gather [hbm4b:s6+s3], $0x80, v3, vm0, $0xb8;
	[tilespmem:$0x15900] =	vst v63  }
0x11a: {  	v3 =	vld.msk [tilespmem:$0xE8], $0xff;
	_ =	sdelay $0x4  }
0x11b: {  	v63 =	vshll.u32 v3, $0x2  }
0x11c: {  	v3 =	vand.u32 $0x7, v3;
	v4 =	vand.u32 $0xFFFFFFE0, v63  }
0x11d: {  	v3 =	vor.u32 v3, v4  }
0x11e: {  	v3 =	vperm.xlane v3, v0;
	_ =	sdelay $0x1  }
0x11f: {  	v3 =	vadd.s32 v1, v3  }
0x120: {  	s29 =	simm.s32 $0xA900;
	s0 =	simm.s32 $0x188;
	s4 =	simm.s32 $0x0  }
0x121: {  	s11 =	simm.s32 $0x2900;
	s12 =	simm.s32 $0x3100;
	s13 =	simm.s32 $0x3900  }
0x122: {  	s5 =	simm.s32 $0x4900;
	s14 =	simm.s32 $0x4100;
	s15 =	simm.s32 $0x5100  }
0x123: {  	s17 =	simm.s32 $0x5900;
	s18 =	simm.s32 $0x6100;
	s19 =	simm.s32 $0x7100  }
0x124: {  	[tilespmem:s25], [sflag:$0x1] =	stream.indirect_vreg.gather [hbm4b:s1+s3], $0x80, v3, vm0, $0xb8;
	[tilespmem:$0x15900] =	vst v63  }
0x125: {  	s21 =	simm.s32 $0x7900;
	s22 =	simm.s32 $0x8100;
	s23 =	simm.s32 $0x8900  }
0x126: {  	[tilespmem:s28], [sflag:$0x1] =	stream.indirect_vreg.gather [hbm4b:s6+s3], $0x80, v3, vm0, $0xb8;
	[tilespmem:$0x15900] =	vst v63  }
0x127: {  	s24 =	simm.s32 $0x9100;
	s25 =	simm.s32 $0x9900;
	s28 =	simm.s32 $0xA100  }
.LBB2_2:
0x128: {  	_ =	swait.ge [sflag:s9], $0x5000  }
0x129: {  	s7 =	rddreg [dreg:$0x4]  }
0x12a: {  	[sflag:s9] =	ssyncset.done $0x0;
	s7 =	sadd.s32 s4, s7  }
0x12b: {  	[sflag:s9] =	ssyncadd.s32 $0xFFFFB000;
	s8 =	sadd.s32 $0x2800, s7  }
0x12c: {  	[hbm4b:s8+s3] =	stream.linear.scatter [tilespmem:s16], [sflag:$0x2], $0x5000, $0x38;
	[tilespmem:$0x15900] =	vst v63  }
0x12d: {  	_ =	swait.ge [sflag:s2], $0x5000  }
0x12e: {  	[sflag:s2] =	ssyncset.done $0x0  }
0x12f: {  	[sflag:s2] =	ssyncadd.s32 $0xFFFFB000  }
0x130: {  	v3 =	vld [tilespmem:s0+$0xFFFFFF68];
	_ =	sdelay $0x4  }
0x131: {  	v4 =	vshll.u32 v3, $0x2  }
0x132: {  	v3 =	vand.u32 $0x7, v3;
	v4 =	vand.u32 $0xFFFFFFE0, v4  }
0x133: {  	v3 =	vor.u32 v3, v4  }
0x134: {  	v4 =	vperm.xlane v3, v0;
	_ =	sdelay $0x1  }
0x135: {  	v4 =	vadd.s32 v1, v4;
	_ =	sdelay $0x1  }
0x136: {  	v3 =	vperm.xlane v3, v2;
	_ =	sdelay $0x1  }
0x137: {  	v3 =	vadd.s32 v1, v3  }
0x138: {  	[tilespmem:s10], [sflag:$0x1] =	stream.indirect_vreg.gather [hbm4b:s1+s3], $0x80, v4, vm0, $0xb8;
	[tilespmem:$0x15900] =	vst v63  }
0x139: {  	s8 =	simm.s32 $0xC100  }
0x13a: {  	[tilespmem:s8], [sflag:$0x1] =	stream.indirect_vreg.gather [hbm4b:s6+s3], $0x80, v4, vm0, $0xb8;
	[tilespmem:$0x15900] =	vst v63  }
0x13b: {  	s8 =	simm.s32 $0xC900  }
0x13c: {  	[tilespmem:s8], [sflag:$0x1] =	stream.indirect_vreg.gather [hbm4b:s1+s3], $0x80, v3, vm0, $0xb8;
	[tilespmem:$0x15900] =	vst v63  }
0x13d: {  	s8 =	simm.s32 $0xD100  }
0x13e: {  	[tilespmem:s8], [sflag:$0x1] =	stream.indirect_vreg.gather [hbm4b:s6+s3], $0x80, v3, vm0, $0xb8;
	[tilespmem:$0x15900] =	vst v63  }
0x13f: {  	v3 =	vld [tilespmem:s0+$0xFFFFFF78];
	_ =	sdelay $0x4  }
0x140: {  	v53 =	vshll.u32 v3, $0x2  }
0x141: {  	v3 =	vand.u32 $0x7, v3;
	v4 =	vand.u32 $0xFFFFFFE0, v53  }
0x142: {  	v3 =	vor.u32 v3, v4  }
0x143: {  	v4 =	vperm.xlane v3, v0;
	_ =	sdelay $0x1  }
0x144: {  	v4 =	vadd.s32 v1, v4;
	_ =	sdelay $0x1  }
0x145: {  	v3 =	vperm.xlane v3, v2;
	_ =	sdelay $0x1  }
0x146: {  	s8 =	simm.s32 $0xD900;
	v3 =	vadd.s32 v1, v3  }
0x147: {  	[tilespmem:s8], [sflag:$0x1] =	stream.indirect_vreg.gather [hbm4b:s1+s3], $0x80, v4, vm0, $0xb8;
	[tilespmem:$0x15900] =	vst v63  }
0x148: {  	s8 =	simm.s32 $0xE100  }
0x149: {  	[tilespmem:s8], [sflag:$0x1] =	stream.indirect_vreg.gather [hbm4b:s6+s3], $0x80, v4, vm0, $0xb8;
	[tilespmem:$0x15900] =	vst v63  }
0x14a: {  	s8 =	simm.s32 $0xE900  }
0x14b: {  	[tilespmem:s8], [sflag:$0x1] =	stream.indirect_vreg.gather [hbm4b:s1+s3], $0x80, v3, vm0, $0xb8;
	[tilespmem:$0x15900] =	vst v63  }
0x14c: {  	s8 =	simm.s32 $0xF100  }
0x14d: {  	[tilespmem:s8], [sflag:$0x1] =	stream.indirect_vreg.gather [hbm4b:s6+s3], $0x80, v3, vm0, $0xb8;
	[tilespmem:$0x15900] =	vst v63  }
0x14e: {  	v3 =	vld.msk [tilespmem:s0+$0xFFFFFF88], $0xff;
	_ =	sdelay $0x4  }
0x14f: {  	v54 =	vshll.u32 v3, $0x2  }
0x150: {  	v3 =	vand.u32 $0x7, v3;
	v4 =	vand.u32 $0xFFFFFFE0, v54  }
0x151: {  	v3 =	vor.u32 v3, v4  }
0x152: {  	v3 =	vperm.xlane v3, v0;
	_ =	sdelay $0x1  }
0x153: {  	v3 =	vadd.s32 v1, v3;
	_ =	sdelay $0x3  }
0x154: {  	s8 =	simm.s32 $0xF900  }
0x155: {  	[tilespmem:s8], [sflag:$0x1] =	stream.indirect_vreg.gather [hbm4b:s1+s3], $0x80, v3, vm0, $0xb8;
	[tilespmem:$0x15900] =	vst v63  }
0x156: {  	s8 =	simm.s32 $0x10100  }
0x157: {  	[tilespmem:s8], [sflag:$0x1] =	stream.indirect_vreg.gather [hbm4b:s6+s3], $0x80, v3, vm0, $0xb8;
	[tilespmem:$0x15900] =	vst v63  }
0x158: {  	_ =	swait.ge [sflag:s9], $0x5000  }
0x159: {  	[sflag:s9] =	ssyncset.done $0x0  }
0x15a: {  	s8 =	sadd.s32 $0x3200, s7;
	[sflag:s9] =	ssyncadd.s32 $0xFFFFB000  }
0x15b: {  	[hbm4b:s8+s3] =	stream.linear.scatter [tilespmem:s26], [sflag:$0x2], $0x5000, $0x38;
	[tilespmem:$0x15900] =	vst v63  }
0x15c: {  	_ =	swait.ge [sflag:s2], $0x5000  }
0x15d: {  	[sflag:s2] =	ssyncset.done $0x0  }
0x15e: {  	[sflag:s2] =	ssyncadd.s32 $0xFFFFB000  }
0x15f: {  	v3 =	vld [tilespmem:s0+$0xFFFFFF90];
	_ =	sdelay $0x4  }
0x160: {  	v55 =	vshll.u32 v3, $0x2  }
0x161: {  	v3 =	vand.u32 $0x7, v3;
	v4 =	vand.u32 $0xFFFFFFE0, v55  }
0x162: {  	v3 =	vor.u32 v3, v4  }
0x163: {  	v4 =	vperm.xlane v3, v0;
	_ =	sdelay $0x1  }
0x164: {  	v4 =	vadd.s32 v1, v4;
	_ =	sdelay $0x1  }
0x165: {  	v3 =	vperm.xlane v3, v2;
	_ =	sdelay $0x1  }
0x166: {  	v3 =	vadd.s32 v1, v3  }
0x167: {  	[tilespmem:s20], [sflag:$0x1] =	stream.indirect_vreg.gather [hbm4b:s1+s3], $0x80, v4, vm0, $0xb8;
	[tilespmem:$0x15900] =	vst v63  }
0x168: {  	s8 =	simm.s32 $0x11100  }
0x169: {  	[tilespmem:s8], [sflag:$0x1] =	stream.indirect_vreg.gather [hbm4b:s6+s3], $0x80, v4, vm0, $0xb8;
	[tilespmem:$0x15900] =	vst v63  }
0x16a: {  	s8 =	simm.s32 $0x11900  }
0x16b: {  	[tilespmem:s8], [sflag:$0x1] =	stream.indirect_vreg.gather [hbm4b:s1+s3], $0x80, v3, vm0, $0xb8;
	[tilespmem:$0x15900] =	vst v63  }
0x16c: {  	s8 =	simm.s32 $0x12100  }
0x16d: {  	[tilespmem:s8], [sflag:$0x1] =	stream.indirect_vreg.gather [hbm4b:s6+s3], $0x80, v3, vm0, $0xb8;
	[tilespmem:$0x15900] =	vst v63  }
0x16e: {  	v3 =	vld [tilespmem:s0+$0xFFFFFFA0];
	_ =	sdelay $0x4  }
0x16f: {  	v56 =	vshll.u32 v3, $0x2  }
0x170: {  	v3 =	vand.u32 $0x7, v3;
	v4 =	vand.u32 $0xFFFFFFE0, v56  }
0x171: {  	v3 =	vor.u32 v3, v4  }
0x172: {  	v4 =	vperm.xlane v3, v0;
	_ =	sdelay $0x1  }
0x173: {  	v4 =	vadd.s32 v1, v4;
	_ =	sdelay $0x1  }
0x174: {  	v3 =	vperm.xlane v3, v2;
	_ =	sdelay $0x1  }
0x175: {  	s8 =	simm.s32 $0x12900;
	v3 =	vadd.s32 v1, v3  }
0x176: {  	[tilespmem:s8], [sflag:$0x1] =	stream.indirect_vreg.gather [hbm4b:s1+s3], $0x80, v4, vm0, $0xb8;
	[tilespmem:$0x15900] =	vst v63  }
0x177: {  	s8 =	simm.s32 $0x13100  }
0x178: {  	[tilespmem:s8], [sflag:$0x1] =	stream.indirect_vreg.gather [hbm4b:s6+s3], $0x80, v4, vm0, $0xb8;
	[tilespmem:$0x15900] =	vst v63  }
0x179: {  	s8 =	simm.s32 $0x13900  }
0x17a: {  	[tilespmem:s8], [sflag:$0x1] =	stream.indirect_vreg.gather [hbm4b:s1+s3], $0x80, v3, vm0, $0xb8;
	[tilespmem:$0x15900] =	vst v63  }
0x17b: {  	s8 =	simm.s32 $0x14100  }
0x17c: {  	[tilespmem:s8], [sflag:$0x1] =	stream.indirect_vreg.gather [hbm4b:s6+s3], $0x80, v3, vm0, $0xb8;
	[tilespmem:$0x15900] =	vst v63  }
0x17d: {  	v3 =	vld.msk [tilespmem:s0+$0xFFFFFFB0], $0xff;
	_ =	sdelay $0x4  }
0x17e: {  	v57 =	vshll.u32 v3, $0x2  }
0x17f: {  	v3 =	vand.u32 $0x7, v3;
	v4 =	vand.u32 $0xFFFFFFE0, v57  }
0x180: {  	v3 =	vor.u32 v3, v4  }
0x181: {  	v3 =	vperm.xlane v3, v0;
	_ =	sdelay $0x1  }
0x182: {  	v3 =	vadd.s32 v1, v3;
	_ =	sdelay $0x3  }
0x183: {  	s8 =	simm.s32 $0x14900  }
0x184: {  	[tilespmem:s8], [sflag:$0x1] =	stream.indirect_vreg.gather [hbm4b:s1+s3], $0x80, v3, vm0, $0xb8;
	[tilespmem:$0x15900] =	vst v63  }
0x185: {  	_ = 	snop  }
0x186: {  	[tilespmem:s31], [sflag:$0x1] =	stream.indirect_vreg.gather [hbm4b:s6+s3], $0x80, v3, vm0, $0xb8;
	[tilespmem:$0x15900] =	vst v63  }
0x187: {  	_ =	swait.ge [sflag:s9], $0x5000  }
0x188: {  	[sflag:s9] =	ssyncset.done $0x0  }
0x189: {  	s8 =	sadd.s32 $0x3C00, s7;
	[sflag:s9] =	ssyncadd.s32 $0xFFFFB000  }
0x18a: {  	[hbm4b:s8+s3] =	stream.linear.scatter [tilespmem:s10], [sflag:$0x2], $0x5000, $0x38;
	[tilespmem:$0x15900] =	vst v63  }
0x18b: {  	_ =	swait.ge [sflag:s2], $0x5000  }
0x18c: {  	[sflag:s2] =	ssyncset.done $0x0  }
0x18d: {  	[sflag:s2] =	ssyncadd.s32 $0xFFFFB000  }
0x18e: {  	v3 =	vld [tilespmem:s0+$0xFFFFFFB8];
	_ =	sdelay $0x4  }
0x18f: {  	v58 =	vshll.u32 v3, $0x2  }
0x190: {  	v3 =	vand.u32 $0x7, v3;
	v4 =	vand.u32 $0xFFFFFFE0, v58  }
0x191: {  	v3 =	vor.u32 v3, v4  }
0x192: {  	v4 =	vperm.xlane v3, v0;
	_ =	sdelay $0x1  }
0x193: {  	v4 =	vadd.s32 v1, v4;
	_ =	sdelay $0x1  }
0x194: {  	v3 =	vperm.xlane v3, v2;
	_ =	sdelay $0x1  }
0x195: {  	v3 =	vadd.s32 v1, v3  }
0x196: {  	[tilespmem:s16], [sflag:$0x1] =	stream.indirect_vreg.gather [hbm4b:s1+s3], $0x80, v4, vm0, $0xb8;
	[tilespmem:$0x15900] =	vst v63  }
0x197: {  	s8 =	simm.s32 $0x2100  }
0x198: {  	[tilespmem:s8], [sflag:$0x1] =	stream.indirect_vreg.gather [hbm4b:s6+s3], $0x80, v4, vm0, $0xb8;
	[tilespmem:$0x15900] =	vst v63  }
0x199: {  	_ = 	snop  }
0x19a: {  	[tilespmem:s11], [sflag:$0x1] =	stream.indirect_vreg.gather [hbm4b:s1+s3], $0x80, v3, vm0, $0xb8;
	[tilespmem:$0x15900] =	vst v63  }
0x19b: {  	_ = 	snop  }
0x19c: {  	[tilespmem:s12], [sflag:$0x1] =	stream.indirect_vreg.gather [hbm4b:s6+s3], $0x80, v3, vm0, $0xb8;
	[tilespmem:$0x15900] =	vst v63  }
0x19d: {  	v3 =	vld [tilespmem:s0+$0xFFFFFFC8];
	_ =	sdelay $0x4  }
0x19e: {  	v59 =	vshll.u32 v3, $0x2  }
0x19f: {  	v3 =	vand.u32 $0x7, v3;
	v4 =	vand.u32 $0xFFFFFFE0, v59  }
0x1a0: {  	v3 =	vor.u32 v3, v4  }
0x1a1: {  	v4 =	vperm.xlane v3, v0;
	_ =	sdelay $0x1  }
0x1a2: {  	v4 =	vadd.s32 v1, v4;
	_ =	sdelay $0x1  }
0x1a3: {  	v3 =	vperm.xlane v3, v2;
	_ =	sdelay $0x1  }
0x1a4: {  	v3 =	vadd.s32 v1, v3  }
0x1a5: {  	[tilespmem:s13], [sflag:$0x1] =	stream.indirect_vreg.gather [hbm4b:s1+s3], $0x80, v4, vm0, $0xb8;
	[tilespmem:$0x15900] =	vst v63  }
0x1a6: {  	_ = 	snop  }
0x1a7: {  	[tilespmem:s14], [sflag:$0x1] =	stream.indirect_vreg.gather [hbm4b:s6+s3], $0x80, v4, vm0, $0xb8;
	[tilespmem:$0x15900] =	vst v63  }
0x1a8: {  	_ = 	snop  }
0x1a9: {  	[tilespmem:s5], [sflag:$0x1] =	stream.indirect_vreg.gather [hbm4b:s1+s3], $0x80, v3, vm0, $0xb8;
	[tilespmem:$0x15900] =	vst v63  }
0x1aa: {  	_ = 	snop  }
0x1ab: {  	[tilespmem:s15], [sflag:$0x1] =	stream.indirect_vreg.gather [hbm4b:s6+s3], $0x80, v3, vm0, $0xb8;
	[tilespmem:$0x15900] =	vst v63  }
0x1ac: {  	v3 =	vld.msk [tilespmem:s0+$0xFFFFFFD8], $0xff;
	_ =	sdelay $0x4  }
0x1ad: {  	v60 =	vshll.u32 v3, $0x2  }
0x1ae: {  	v3 =	vand.u32 $0x7, v3;
	v4 =	vand.u32 $0xFFFFFFE0, v60  }
0x1af: {  	v3 =	vor.u32 v3, v4  }
0x1b0: {  	v3 =	vperm.xlane v3, v0;
	_ =	sdelay $0x1  }
0x1b1: {  	v3 =	vadd.s32 v1, v3;
	_ =	sdelay $0x4  }
0x1b2: {  	[tilespmem:s17], [sflag:$0x1] =	stream.indirect_vreg.gather [hbm4b:s1+s3], $0x80, v3, vm0, $0xb8;
	[tilespmem:$0x15900] =	vst v63  }
0x1b3: {  	_ = 	snop  }
0x1b4: {  	[tilespmem:s18], [sflag:$0x1] =	stream.indirect_vreg.gather [hbm4b:s6+s3], $0x80, v3, vm0, $0xb8;
	[tilespmem:$0x15900] =	vst v63  }
0x1b5: {  	_ =	swait.ge [sflag:s9], $0x5000  }
0x1b6: {  	[sflag:s9] =	ssyncset.done $0x0  }
0x1b7: {  	s7 =	sadd.s32 $0x4600, s7;
	[sflag:s9] =	ssyncadd.s32 $0xFFFFB000  }
0x1b8: {  	[hbm4b:s7+s3] =	stream.linear.scatter [tilespmem:s20], [sflag:$0x2], $0x5000, $0x38;
	[tilespmem:$0x15900] =	vst v63  }
0x1b9: {  	_ =	swait.ge [sflag:s2], $0x5000  }
0x1ba: {  	[sflag:s2] =	ssyncset.done $0x0  }
0x1bb: {  	[sflag:s2] =	ssyncadd.s32 $0xFFFFB000  }
0x1bc: {  	v3 =	vld [tilespmem:s0+$0xFFFFFFE0];
	_ =	sdelay $0x4  }
0x1bd: {  	v61 =	vshll.u32 v3, $0x2  }
0x1be: {  	v3 =	vand.u32 $0x7, v3;
	v4 =	vand.u32 $0xFFFFFFE0, v61  }
0x1bf: {  	v3 =	vor.u32 v3, v4  }
0x1c0: {  	v4 =	vperm.xlane v3, v0;
	_ =	sdelay $0x1  }
0x1c1: {  	v4 =	vadd.s32 v1, v4;
	_ =	sdelay $0x1  }
0x1c2: {  	v3 =	vperm.xlane v3, v2;
	_ =	sdelay $0x1  }
0x1c3: {  	v3 =	vadd.s32 v1, v3  }
0x1c4: {  	[tilespmem:s26], [sflag:$0x1] =	stream.indirect_vreg.gather [hbm4b:s1+s3], $0x80, v4, vm0, $0xb8;
	[tilespmem:$0x15900] =	vst v63  }
0x1c5: {  	_ = 	snop  }
0x1c6: {  	[tilespmem:s19], [sflag:$0x1] =	stream.indirect_vreg.gather [hbm4b:s6+s3], $0x80, v4, vm0, $0xb8;
	[tilespmem:$0x15900] =	vst v63  }
0x1c7: {  	_ = 	snop  }
0x1c8: {  	[tilespmem:s21], [sflag:$0x1] =	stream.indirect_vreg.gather [hbm4b:s1+s3], $0x80, v3, vm0, $0xb8;
	[tilespmem:$0x15900] =	vst v63  }
0x1c9: {  	_ = 	snop  }
0x1ca: {  	[tilespmem:s22], [sflag:$0x1] =	stream.indirect_vreg.gather [hbm4b:s6+s3], $0x80, v3, vm0, $0xb8;
	[tilespmem:$0x15900] =	vst v63  }
0x1cb: {  	v3 =	vld [tilespmem:s0+$0xFFFFFFF0];
	_ =	sdelay $0x4  }
0x1cc: {  	v62 =	vshll.u32 v3, $0x2  }
0x1cd: {  	v3 =	vand.u32 $0x7, v3;
	v4 =	vand.u32 $0xFFFFFFE0, v62  }
0x1ce: {  	v3 =	vor.u32 v3, v4  }
0x1cf: {  	v4 =	vperm.xlane v3, v0;
	_ =	sdelay $0x1  }
0x1d0: {  	v4 =	vadd.s32 v1, v4;
	_ =	sdelay $0x1  }
0x1d1: {  	v3 =	vperm.xlane v3, v2;
	_ =	sdelay $0x1  }
0x1d2: {  	v3 =	vadd.s32 v1, v3  }
0x1d3: {  	[tilespmem:s23], [sflag:$0x1] =	stream.indirect_vreg.gather [hbm4b:s1+s3], $0x80, v4, vm0, $0xb8;
	[tilespmem:$0x15900] =	vst v63  }
0x1d4: {  	_ = 	snop  }
0x1d5: {  	[tilespmem:s24], [sflag:$0x1] =	stream.indirect_vreg.gather [hbm4b:s6+s3], $0x80, v4, vm0, $0xb8;
	[tilespmem:$0x15900] =	vst v63  }
0x1d6: {  	_ = 	snop  }
0x1d7: {  	[tilespmem:s25], [sflag:$0x1] =	stream.indirect_vreg.gather [hbm4b:s1+s3], $0x80, v3, vm0, $0xb8;
	[tilespmem:$0x15900] =	vst v63  }
0x1d8: {  	_ = 	snop  }
0x1d9: {  	[tilespmem:s28], [sflag:$0x1] =	stream.indirect_vreg.gather [hbm4b:s6+s3], $0x80, v3, vm0, $0xb8;
	[tilespmem:$0x15900] =	vst v63  }
0x1da: {  	v3 =	vld.msk [tilespmem:s0+$0x0], $0xff;
	_ =	sdelay $0x4  }
0x1db: {  	v63 =	vshll.u32 v3, $0x2  }
0x1dc: {  	v3 =	vand.u32 $0x7, v3;
	v4 =	vand.u32 $0xFFFFFFE0, v63  }
0x1dd: {  	v3 =	vor.u32 v3, v4  }
0x1de: {  	v3 =	vperm.xlane v3, v0;
	_ =	sdelay $0x1  }
0x1df: {  	v3 =	vadd.s32 v1, v3;
	_ =	sdelay $0x1  }
0x1e0: {  	p0 =	sne.s32 s4, $0x5C800  }
.Ltmp0:
0x1e1: {  	_ = 	snop;
	(pc) =	sbr.rel @p0 .LBB2_2-.Ltmp0, $4  }
0x1e2: {  	_ = 	snop  }
0x1e3: {  	[tilespmem:s29], [sflag:$0x1] =	stream.indirect_vreg.gather [hbm4b:s1+s3], $0x80, v3, vm0, $0xb8;
	[tilespmem:$0x15900] =	vst v63  }
0x1e4: {  	s4 =	sadd.s32 $0x2800, s4;
	s0 =	sadd.s32 $0xA0, s0  }
0x1e5: {  	[tilespmem:s30], [sflag:$0x1] =	stream.indirect_vreg.gather [hbm4b:s6+s3], $0x80, v3, vm0, $0xb8;
	[tilespmem:$0x15900] =	vst v63  }
0x1e6: {  	_ =	swait.ge [sflag:s9], $0x5000  }
0x1e7: {  	[sflag:s9] =	ssyncset.done $0x0  }
0x1e8: {  	s0 =	rddreg [dreg:$0xa];
	[sflag:s9] =	ssyncadd.s32 $0xFFFFB000  }
0x1e9: {  	[hbm4b:s0+s3] =	stream.linear.scatter [tilespmem:s16], [sflag:$0x2], $0x5000, $0x38;
	[tilespmem:$0x15900] =	vst v63  }
0x1ea: {  	_ =	swait.ge [sflag:s2], $0x5000  }
0x1eb: {  	[sflag:s2] =	ssyncset.done $0x0  }
0x1ec: {  	[sflag:s2] =	ssyncadd.s32 $0xFFFFB000  }
0x1ed: {  	v3 =	vld [tilespmem:$0x18B0];
	_ =	sdelay $0x4  }
0x1ee: {  	v4 =	vshll.u32 v3, $0x2  }
0x1ef: {  	v3 =	vand.u32 $0x7, v3;
	v4 =	vand.u32 $0xFFFFFFE0, v4  }
0x1f0: {  	v3 =	vor.u32 v3, v4  }
0x1f1: {  	v4 =	vperm.xlane v3, v0;
	_ =	sdelay $0x1  }
0x1f2: {  	v4 =	vadd.s32 v1, v4;
	_ =	sdelay $0x1  }
0x1f3: {  	v3 =	vperm.xlane v3, v2;
	_ =	sdelay $0x1  }
0x1f4: {  	v3 =	vadd.s32 v1, v3  }
0x1f5: {  	[tilespmem:s10], [sflag:$0x1] =	stream.indirect_vreg.gather [hbm4b:s1+s3], $0x80, v4, vm0, $0xb8;
	[tilespmem:$0x15900] =	vst v63  }
0x1f6: {  	s21 =	simm.s32 $0xC100  }
0x1f7: {  	[tilespmem:s21], [sflag:$0x1] =	stream.indirect_vreg.gather [hbm4b:s6+s3], $0x80, v4, vm0, $0xb8;
	[tilespmem:$0x15900] =	vst v63  }
0x1f8: {  	s22 =	simm.s32 $0xC900  }
0x1f9: {  	[tilespmem:s22], [sflag:$0x1] =	stream.indirect_vreg.gather [hbm4b:s1+s3], $0x80, v3, vm0, $0xb8;
	[tilespmem:$0x15900] =	vst v63  }
0x1fa: {  	s23 =	simm.s32 $0xD100  }
0x1fb: {  	[tilespmem:s23], [sflag:$0x1] =	stream.indirect_vreg.gather [hbm4b:s6+s3], $0x80, v3, vm0, $0xb8;
	[tilespmem:$0x15900] =	vst v63  }
0x1fc: {  	v3 =	vld [tilespmem:$0x18C0];
	_ =	sdelay $0x4  }
0x1fd: {  	v59 =	vshll.u32 v3, $0x2  }
0x1fe: {  	v3 =	vand.u32 $0x7, v3;
	v4 =	vand.u32 $0xFFFFFFE0, v59  }
0x1ff: {  	v3 =	vor.u32 v3, v4  }
0x200: {  	v4 =	vperm.xlane v3, v0;
	_ =	sdelay $0x1  }
0x201: {  	v4 =	vadd.s32 v1, v4;
	_ =	sdelay $0x1  }
0x202: {  	v3 =	vperm.xlane v3, v2;
	_ =	sdelay $0x1  }
0x203: {  	s24 =	simm.s32 $0xD900;
	v3 =	vadd.s32 v1, v3  }
0x204: {  	[tilespmem:s24], [sflag:$0x1] =	stream.indirect_vreg.gather [hbm4b:s1+s3], $0x80, v4, vm0, $0xb8;
	[tilespmem:$0x15900] =	vst v63  }
0x205: {  	s25 =	simm.s32 $0xE100  }
0x206: {  	[tilespmem:s25], [sflag:$0x1] =	stream.indirect_vreg.gather [hbm4b:s6+s3], $0x80, v4, vm0, $0xb8;
	[tilespmem:$0x15900] =	vst v63  }
0x207: {  	s4 =	simm.s32 $0xE900  }
0x208: {  	[tilespmem:s4], [sflag:$0x1] =	stream.indirect_vreg.gather [hbm4b:s1+s3], $0x80, v3, vm0, $0xb8;
	[tilespmem:$0x15900] =	vst v63  }
0x209: {  	s5 =	simm.s32 $0xF100  }
0x20a: {  	[tilespmem:s5], [sflag:$0x1] =	stream.indirect_vreg.gather [hbm4b:s6+s3], $0x80, v3, vm0, $0xb8;
	[tilespmem:$0x15900] =	vst v63  }
0x20b: {  	v3 =	vld.msk [tilespmem:$0x18D0], $0xff;
	_ =	sdelay $0x4  }
0x20c: {  	v60 =	vshll.u32 v3, $0x2  }
0x20d: {  	v3 =	vand.u32 $0x7, v3;
	v4 =	vand.u32 $0xFFFFFFE0, v60  }
0x20e: {  	v3 =	vor.u32 v3, v4  }
0x20f: {  	v3 =	vperm.xlane v3, v0;
	_ =	sdelay $0x1  }
0x210: {  	v3 =	vadd.s32 v1, v3;
	_ =	sdelay $0x3  }
0x211: {  	s7 =	simm.s32 $0xF900  }
0x212: {  	[tilespmem:s7], [sflag:$0x1] =	stream.indirect_vreg.gather [hbm4b:s1+s3], $0x80, v3, vm0, $0xb8;
	[tilespmem:$0x15900] =	vst v63  }
0x213: {  	s11 =	simm.s32 $0x10100  }
0x214: {  	[tilespmem:s11], [sflag:$0x1] =	stream.indirect_vreg.gather [hbm4b:s6+s3], $0x80, v3, vm0, $0xb8;
	[tilespmem:$0x15900] =	vst v63  }
0x215: {  	_ =	swait.ge [sflag:s9], $0x5000  }
0x216: {  	[sflag:s9] =	ssyncset.done $0x0  }
0x217: {  	s12 =	rddreg [dreg:$0xb];
	[sflag:s9] =	ssyncadd.s32 $0xFFFFB000  }
0x218: {  	[hbm4b:s12+s3] =	stream.linear.scatter [tilespmem:s26], [sflag:$0x2], $0x5000, $0x38;
	[tilespmem:$0x15900] =	vst v63  }
0x219: {  	_ =	swait.ge [sflag:s2], $0x5000  }
0x21a: {  	[sflag:s2] =	ssyncset.done $0x0  }
0x21b: {  	[sflag:s2] =	ssyncadd.s32 $0xFFFFB000  }
0x21c: {  	v3 =	vld [tilespmem:$0x18D8];
	_ =	sdelay $0x4  }
0x21d: {  	v61 =	vshll.u32 v3, $0x2  }
0x21e: {  	v3 =	vand.u32 $0x7, v3;
	v4 =	vand.u32 $0xFFFFFFE0, v61  }
0x21f: {  	v3 =	vor.u32 v3, v4  }
0x220: {  	v4 =	vperm.xlane v3, v0;
	_ =	sdelay $0x1  }
0x221: {  	v4 =	vadd.s32 v1, v4;
	_ =	sdelay $0x1  }
0x222: {  	v3 =	vperm.xlane v3, v2;
	_ =	sdelay $0x1  }
0x223: {  	v3 =	vadd.s32 v1, v3  }
0x224: {  	[tilespmem:s20], [sflag:$0x1] =	stream.indirect_vreg.gather [hbm4b:s1+s3], $0x80, v4, vm0, $0xb8;
	[tilespmem:$0x15900] =	vst v63  }
0x225: {  	s13 =	simm.s32 $0x11100  }
0x226: {  	[tilespmem:s13], [sflag:$0x1] =	stream.indirect_vreg.gather [hbm4b:s6+s3], $0x80, v4, vm0, $0xb8;
	[tilespmem:$0x15900] =	vst v63  }
0x227: {  	s14 =	simm.s32 $0x11900  }
0x228: {  	[tilespmem:s14], [sflag:$0x1] =	stream.indirect_vreg.gather [hbm4b:s1+s3], $0x80, v3, vm0, $0xb8;
	[tilespmem:$0x15900] =	vst v63  }
0x229: {  	s15 =	simm.s32 $0x12100  }
0x22a: {  	[tilespmem:s15], [sflag:$0x1] =	stream.indirect_vreg.gather [hbm4b:s6+s3], $0x80, v3, vm0, $0xb8;
	[tilespmem:$0x15900] =	vst v63  }
0x22b: {  	v3 =	vld [tilespmem:$0x18E8];
	_ =	sdelay $0x4  }
0x22c: {  	v62 =	vshll.u32 v3, $0x2  }
0x22d: {  	v3 =	vand.u32 $0x7, v3;
	v4 =	vand.u32 $0xFFFFFFE0, v62  }
0x22e: {  	v3 =	vor.u32 v3, v4  }
0x22f: {  	v4 =	vperm.xlane v3, v0;
	_ =	sdelay $0x1  }
0x230: {  	v4 =	vadd.s32 v1, v4;
	_ =	sdelay $0x1  }
0x231: {  	v3 =	vperm.xlane v3, v2;
	_ =	sdelay $0x1  }
0x232: {  	s17 =	simm.s32 $0x12900;
	v3 =	vadd.s32 v1, v3  }
0x233: {  	[tilespmem:s17], [sflag:$0x1] =	stream.indirect_vreg.gather [hbm4b:s1+s3], $0x80, v4, vm0, $0xb8;
	[tilespmem:$0x15900] =	vst v63  }
0x234: {  	s18 =	simm.s32 $0x13100  }
0x235: {  	[tilespmem:s18], [sflag:$0x1] =	stream.indirect_vreg.gather [hbm4b:s6+s3], $0x80, v4, vm0, $0xb8;
	[tilespmem:$0x15900] =	vst v63  }
0x236: {  	s19 =	simm.s32 $0x13900  }
0x237: {  	[tilespmem:s19], [sflag:$0x1] =	stream.indirect_vreg.gather [hbm4b:s1+s3], $0x80, v3, vm0, $0xb8;
	[tilespmem:$0x15900] =	vst v63  }
0x238: {  	s21 =	simm.s32 $0x14100  }
0x239: {  	[tilespmem:s21], [sflag:$0x1] =	stream.indirect_vreg.gather [hbm4b:s6+s3], $0x80, v3, vm0, $0xb8;
	[tilespmem:$0x15900] =	vst v63  }
0x23a: {  	v3 =	vld.msk [tilespmem:$0x18F8], $0xff;
	_ =	sdelay $0x4  }
0x23b: {  	v63 =	vshll.u32 v3, $0x2  }
0x23c: {  	v3 =	vand.u32 $0x7, v3;
	v4 =	vand.u32 $0xFFFFFFE0, v63  }
0x23d: {  	v3 =	vor.u32 v3, v4  }
0x23e: {  	v3 =	vperm.xlane v3, v0;
	_ =	sdelay $0x1  }
0x23f: {  	v3 =	vadd.s32 v1, v3;
	_ =	sdelay $0x3  }
0x240: {  	s22 =	simm.s32 $0x14900  }
0x241: {  	[tilespmem:s22], [sflag:$0x1] =	stream.indirect_vreg.gather [hbm4b:s1+s3], $0x80, v3, vm0, $0xb8;
	[tilespmem:$0x15900] =	vst v63  }
0x242: {  	_ = 	snop  }
0x243: {  	[tilespmem:s31], [sflag:$0x1] =	stream.indirect_vreg.gather [hbm4b:s6+s3], $0x80, v3, vm0, $0xb8;
	[tilespmem:$0x15900] =	vst v63  }
0x244: {  	_ =	swait.ge [sflag:s9], $0x5000  }
0x245: {  	[sflag:s9] =	ssyncset.done $0x0  }
0x246: {  	s23 =	rddreg [dreg:$0xc];
	[sflag:s9] =	ssyncadd.s32 $0xFFFFB000  }
0x247: {  	[hbm4b:s23+s3] =	stream.linear.scatter [tilespmem:s10], [sflag:$0x2], $0x5000, $0x38;
	[tilespmem:$0x15900] =	vst v63  }
0x248: {  	_ =	swait.ge [sflag:s9], $0x5000  }
0x249: {  	[sflag:s9] =	ssyncset.done $0x0  }
0x24a: {  	s24 =	rddreg [dreg:$0xd];
	[sflag:s9] =	ssyncadd.s32 $0xFFFFB000  }
0x24b: {  	[hbm4b:s24+s3] =	stream.linear.scatter [tilespmem:s20], [sflag:$0x2], $0x5000, $0x38;
	[tilespmem:$0x15900] =	vst v63  }
0x24c: {  	_ =	swait.ge [sflag:s2], $0x5000  }
0x24d: {  	[sflag:s2] =	ssyncset.done $0x0  }
0x24e: {  	[sflag:s2] =	ssyncadd.s32 $0xFFFFB000  }
0x24f: {  	_ =	swait.ge [sflag:s2], $0x5000  }
0x250: {  	[sflag:s2] =	ssyncset.done $0x0  }
0x251: {  	[sflag:s2] =	ssyncadd.s32 $0xFFFFB000  }
0x252: {  	_ =	swait.ge [sflag:s2], $0x5000  }
0x253: {  	[sflag:s2] =	ssyncset.done $0x0  }
0x254: {  	[sflag:s2] =	ssyncadd.s32 $0xFFFFB000  }
0x255: {  	_ =	swait.ge [sflag:s2], $0x5000  }
0x256: {  	s28 =	simm.s32 $0xB100;
	s4 =	simm.s32 $0x2900;
	s29 =	rddreg [dreg:$0xf]  }
0x257: {  	s5 =	simm.s32 $0x5100;
	s25 =	rddreg [dreg:$0xe];
	s29 =	sadd.s32 $0x1, s29  }
0x258: {  	s7 =	simm.s32 $0x3100;
	s11 =	simm.s32 $0x3900;
	p0 =	sne.s32 s29, s25  }
.Ltmp1:
0x259: {  	s12 =	simm.s32 $0x4100;
	s13 =	simm.s32 $0x4900;
	(pc) =	sbr.rel @p0 .LBB2_1-.Ltmp1, $4  }
0x25a: {  	s14 =	simm.s32 $0x5900;
	s15 =	simm.s32 $0x6100;
	s17 =	simm.s32 $0x7100  }
0x25b: {  	s18 =	simm.s32 $0x7900;
	s19 =	simm.s32 $0x8100;
	s21 =	simm.s32 $0x8900  }
0x25c: {  	s22 =	simm.s32 $0x9100;
	s23 =	simm.s32 $0x9900;
	[sflag:s2] =	ssyncset.done $0x0  }
0x25d: {  	s24 =	simm.s32 $0xA100;
	[sflag:s2] =	ssyncadd.s32 $0xFFFFB000;
	s25 =	simm.s32 $0xA900  }
0x25e: {  	_ =	sfence.sel $0x180000  }
0x25f: {  	[bflag:$0x0] =	sbarrier.arrive $0xFFFF  }
0x260: {  	_ =	strace $0x90000047  }
0x261: {  	s0 =	stileid.u32;
	[bflag:$0x2] =	sbarrier.arrive $0xFFFF  }
0x262: {  	p0 =	sne.s32 s0, $0x0;
	s0 =	rddreg [dreg:$0x3]  }
0x263: {  	s0 =	sadd.s32 @!p0 $0x100000, s0  }
0x264: {  	[sflag:s0] =	ssyncadd.tile.s32 @!p0 $0x1;
	_ =	shalt  }
.Lfunc_end2:
_tile_overlayer_lowered:
.L_overlay_start_2:
0x265: {  	(tag) =	ssettag $0x2  }
0x266: {  	s0 =	rddreg [dreg:$0x0];
	s2 =	stileid.u32  }
0x267: {  	s1 =	rddreg [dreg:$0x1];
	p0 =	sne.s32 s2, $0x0  }
0x268: {  	s3 =	rddreg [dreg:$0x2];
	[bflag:$0x3] =	sbarrier.arrive $0xFFFF;
	s2 =	simm.s32 @!p0 $0x1C03  }
0x269: {  	[timem:s3], [sflag:s2] =	dma.local @!p0 [hbm:s0], s1  }
0x26a: {  	s0 =	simm.s32 @!p0 $0x3  }
0x26b: {  	_ =	swait.ge @!p0 [sflag:s0], s1  }
0x26c: {  	s1 =	ssub.s32 @!p0 $0x0, s1;
	[sflag:s0] =	ssyncset.done @!p0 $0x0  }
0x26d: {  	[sflag:s0] =	ssyncadd.s32 @!p0 s1  }
0x26e: {  	[bflag:$0x3] =	sbarrier.arrive $0xFFFF  }
0x26f: {  	_ =	shalt  }

</sc_bundles>
